<compile_context>
chip_gen: v7x
topology: tpu7x:2x2x1
jax: 0.10.2.dev20260603
libtpu: 0.0.44.dev20260713+nightly
codegen_flags: <defaults>
</compile_context>

<pallas_src>
import functools

import jax
import jax.numpy as jnp
from jax import lax
from jax.experimental import pallas as pl
from jax.experimental.pallas import tpu as pltpu
from jax.experimental.pallas import tpu_sc as plsc

NC = 2
NS = 16
NW = NC * NS
CHUNK = 128
NSLOT = 7
AHEAD = 5


def _body(nchunk, table_hbm, idx_hbm, out_hbm, idx_v, rows_v, *sems):
    gsem, wsem = sems[:NSLOT], sems[NSLOT:]
    wid = lax.axis_index("s") * NC + lax.axis_index("c")
    pltpu.sync_copy(idx_hbm.at[wid], idx_v)

    def gather_descriptor(j, slot):
        return pltpu.make_async_copy(
            table_hbm.at[idx_v.at[j]], rows_v.at[slot], gsem[slot]
        )

    def write_descriptor(j, slot):
        return pltpu.make_async_copy(
            rows_v.at[slot], out_hbm.at[wid, j], wsem[slot]
        )

    for j in range(AHEAD):
        gather_descriptor(j, j).start()

    @pl.loop(0, nchunk, step=NSLOT)
    def _chunks(j0):
        for slot in range(NSLOT):
            j = j0 + slot

            @pl.when(j < nchunk)
            def _do_chunk():
                gather_descriptor(j, slot).wait()
                write_descriptor(j, slot).start()
                nslot = (slot + AHEAD) % NSLOT

                @pl.when(j + AHEAD < nchunk)
                def _prefetch():
                    @pl.when(j >= NSLOT - AHEAD)
                    def _free_slot():
                        write_descriptor(j + AHEAD - NSLOT, nslot).wait()

                    gather_descriptor(j + AHEAD, nslot).start()

    for j in range(nchunk):
        if j + NSLOT >= nchunk:
            write_descriptor(j, j % NSLOT).wait()


def kernel(tags, tag_embedding_weight):
    B_total = tags.shape[0] * tags.shape[1]
    D = tag_embedding_weight.shape[1]
    assert B_total % (NW * CHUNK) == 0
    nchunk = B_total // (NW * CHUNK)
    assert nchunk >= NSLOT > AHEAD

    idx = tags.reshape(NW, nchunk, CHUNK).astype(jnp.int32)

    mesh = plsc.VectorSubcoreMesh(
        core_axis_name="c", subcore_axis_name="s", num_cores=NC, num_subcores=NS
    )
    out = pl.kernel(
        functools.partial(_body, nchunk),
        out_type=jax.ShapeDtypeStruct((NW, nchunk, CHUNK, D), jnp.float32),
        mesh=mesh,
        scratch_types=[
            pltpu.VMEM((nchunk, CHUNK), jnp.int32),
            pltpu.VMEM((NSLOT, CHUNK, D), jnp.float32),
        ] + [pltpu.SemaphoreType.DMA] * (2 * NSLOT),
    )(tag_embedding_weight, idx)
    return out.reshape(tags.shape[0], tags.shape[1], D)

# --- scband reference (transcript-rebuilt; emitter-appended) ---
"""Pipeline reference for scband-pos-parser-43877385896433 (READ-ONLY COPY).

The authoritative reference and input builder live on the scoring server;
editing this copy changes nothing except your own understanding.
"""

import jax, jax.numpy as jnp
import numpy as np


def setup_inputs(seed: int = 0) -> dict:
    key = jax.random.key(seed)
    k1, k2 = jax.random.split(key)
    tags = jax.random.randint(k1, (1024, 200), 0, 100000, dtype=jnp.int64 if jax.config.jax_enable_x64 else jnp.int32)
    tag_embedding_weight = jax.random.normal(k2, (100000, 128), dtype=jnp.float32)
    return {"tags": tags, "tag_embedding_weight": tag_embedding_weight}


def reference(tags, tag_embedding_weight):
    # Faithful translation of the embedding lookup performed in
    # POS_Parser.forward_batch: embeds = self.tag_embedding(tags)
    # nn.Embedding(tag_size, tag_dim) lookup == row gather from the table.
    embeds = jnp.take(tag_embedding_weight, tags, axis=0)
    return embeds

if __name__ == "__main__":
    import jax
    _d = setup_inputs()
    print(jax.jit(kernel)(*tuple(_d.values())))

</pallas_src>

<mosaic_0001>
#map = affine_map<(d0, d1) -> (0, 0)>
#map1 = affine_map<(d0, d1) -> (0, 0, 0)>
#map2 = affine_map<(d0, d1) -> (0, 0, 0, 0)>
module attributes {stable_mosaic.version = 14 : i64} {
  func.func @_body(%arg0: i32, %arg1: i32, %arg2: memref<100000x128xf32, #tpu.memory_space<hbm>>, %arg3: memref<32x50x128xi32, #tpu.memory_space<hbm>>, %arg4: memref<32x50x128x128xf32, #tpu.memory_space<hbm>>, %arg5: memref<50x128xi32, #tpu.memory_space<vmem>>, %arg6: memref<7x128x128xf32, #tpu.memory_space<vmem>>, %arg7: memref<!tpu.dma_semaphore, #tpu.memory_space<semaphore_mem>>, %arg8: memref<!tpu.dma_semaphore, #tpu.memory_space<semaphore_mem>>, %arg9: memref<!tpu.dma_semaphore, #tpu.memory_space<semaphore_mem>>, %arg10: memref<!tpu.dma_semaphore, #tpu.memory_space<semaphore_mem>>, %arg11: memref<!tpu.dma_semaphore, #tpu.memory_space<semaphore_mem>>, %arg12: memref<!tpu.dma_semaphore, #tpu.memory_space<semaphore_mem>>, %arg13: memref<!tpu.dma_semaphore, #tpu.memory_space<semaphore_mem>>, %arg14: memref<!tpu.dma_semaphore, #tpu.memory_space<semaphore_mem>>, %arg15: memref<!tpu.dma_semaphore, #tpu.memory_space<semaphore_mem>>, %arg16: memref<!tpu.dma_semaphore, #tpu.memory_space<semaphore_mem>>, %arg17: memref<!tpu.dma_semaphore, #tpu.memory_space<semaphore_mem>>, %arg18: memref<!tpu.dma_semaphore, #tpu.memory_space<semaphore_mem>>, %arg19: memref<!tpu.dma_semaphore, #tpu.memory_space<semaphore_mem>>, %arg20: memref<!tpu.dma_semaphore, #tpu.memory_space<semaphore_mem>>) attributes {dimension_semantics = [#tpu.dimension_semantics<core_parallel>, #tpu.dimension_semantics<subcore_parallel>], iteration_bounds = array<i64: 2, 16>, scalar_prefetch = 0 : i64, scratch_operands = 16 : i64, tpu.core_type = #tpu.core_type<sc_vector_subcore>, window_params = [{transform_indices = #map}, {transform_indices = #map1}, {transform_indices = #map2}]} {
    %mul3A = arith.constant 2 : i32
    %mul3A_0 = arith.muli %arg1, %mul3A : i32
    %add3A = arith.addi %mul3A_0, %arg0 : i32
    "tpu.region"() ({
      %run_scoped3A = tpu.sem_alloc : memref<!tpu.dma_semaphore, #tpu.memory_space<semaphore_mem>>
      %dma_start3A_189 = arith.constant 0 : i32
      %dma_start3A_190 = arith.constant 0 : i32
      %dma_start3A_191 = tpu.memref_slice %arg3[%add3A, %dma_start3A_189, %dma_start3A_190] : memref<32x50x128xi32, #tpu.memory_space<hbm>> -> memref<1x50x128xi32, #tpu.memory_space<hbm>>
      %dma_start3A_192 = tpu.memref_squeeze %dma_start3A_191 : memref<1x50x128xi32, #tpu.memory_space<hbm>> -> memref<50x128xi32, #tpu.memory_space<hbm>>
      %dma_start3A_193 = arith.constant 0 : i32
      %dma_start3A_194 = arith.constant 0 : i32
      %dma_start3A_195 = tpu.memref_slice %arg3[%add3A, %dma_start3A_193, %dma_start3A_194] : memref<32x50x128xi32, #tpu.memory_space<hbm>> -> memref<1x50x128xi32, #tpu.memory_space<hbm>>
      %dma_start3A_196 = tpu.memref_squeeze %dma_start3A_195 : memref<1x50x128xi32, #tpu.memory_space<hbm>> -> memref<50x128xi32, #tpu.memory_space<hbm>>
      tpu.enqueue_dma source(%dma_start3A_196 : memref<50x128xi32, #tpu.memory_space<hbm>>) target(%arg5 : memref<50x128xi32, #tpu.memory_space<vmem>>) target_semaphore(%run_scoped3A : memref<!tpu.dma_semaphore, #tpu.memory_space<semaphore_mem>>)
      %dma_wait3A_197 = arith.constant 0 : i32
      %dma_wait3A_198 = arith.constant 0 : i32
      %dma_wait3A_199 = tpu.memref_slice %arg3[%add3A, %dma_wait3A_197, %dma_wait3A_198] : memref<32x50x128xi32, #tpu.memory_space<hbm>> -> memref<1x50x128xi32, #tpu.memory_space<hbm>>
      %dma_wait3A_200 = tpu.memref_squeeze %dma_wait3A_199 : memref<1x50x128xi32, #tpu.memory_space<hbm>> -> memref<50x128xi32, #tpu.memory_space<hbm>>
      %dma_wait3A_201 = arith.constant 0 : i32
      %dma_wait3A_202 = arith.constant 0 : i32
      %dma_wait3A_203 = tpu.memref_slice %arg3[%add3A, %dma_wait3A_201, %dma_wait3A_202] : memref<32x50x128xi32, #tpu.memory_space<hbm>> -> memref<1x50x128xi32, #tpu.memory_space<hbm>>
      %dma_wait3A_204 = tpu.memref_squeeze %dma_wait3A_203 : memref<1x50x128xi32, #tpu.memory_space<hbm>> -> memref<50x128xi32, #tpu.memory_space<hbm>>
      tpu.wait_dma2 semaphore(%run_scoped3A : memref<!tpu.dma_semaphore, #tpu.memory_space<semaphore_mem>>) src(%dma_wait3A_204 : memref<50x128xi32, #tpu.memory_space<hbm>>) dst(%arg5 : memref<50x128xi32, #tpu.memory_space<vmem>>)
      tpu.yield
    }) : () -> ()
    %dma_start3A = arith.constant 0 : i32
    %dma_start3A_1 = arith.constant 0 : i32
    %dma_start3A_2 = arith.constant 0 : i32
    %dma_start3A_3 = arith.constant 0 : i32
    %dma_start3A_4 = tpu.memref_slice %arg6[%dma_start3A_1, %dma_start3A_2, %dma_start3A_3] : memref<7x128x128xf32, #tpu.memory_space<vmem>> -> memref<1x128x128xf32, #tpu.memory_space<vmem>>
    %dma_start3A_5 = tpu.memref_squeeze %dma_start3A_4 : memref<1x128x128xf32, #tpu.memory_space<vmem>> -> memref<128x128xf32, #tpu.memory_space<vmem>>
    %dma_start3A_6 = arith.constant 0 : i32
    %dma_start3A_7 = tpu.memref_slice %arg5[%dma_start3A, %dma_start3A_6] : memref<50x128xi32, #tpu.memory_space<vmem>> -> memref<1x128xi32, #tpu.memory_space<vmem>>
    %dma_start3A_8 = tpu.memref_squeeze %dma_start3A_7 : memref<1x128xi32, #tpu.memory_space<vmem>> -> memref<128xi32, #tpu.memory_space<vmem>>
    %dma_start3A_9 = arith.constant 0 : i32
    %dma_start3A_10 = arith.constant 0 : i32
    %dma_start3A_11 = tpu.memref_slice %arg2[%dma_start3A_9, %dma_start3A_10] : memref<100000x128xf32, #tpu.memory_space<hbm>> -> memref<100000x128xf32, #tpu.memory_space<hbm>>
    tpu.enqueue_indirect_dma source(%dma_start3A_11 : memref<100000x128xf32, #tpu.memory_space<hbm>>) target(%dma_start3A_5 : memref<128x128xf32, #tpu.memory_space<vmem>>) offsets(%dma_start3A_8 : memref<128xi32, #tpu.memory_space<vmem>>) semaphore(%arg7 : memref<!tpu.dma_semaphore, #tpu.memory_space<semaphore_mem>>)
    %dma_start3A_12 = arith.constant 1 : i32
    %dma_start3A_13 = arith.constant 1 : i32
    %dma_start3A_14 = arith.constant 0 : i32
    %dma_start3A_15 = arith.constant 0 : i32
    %dma_start3A_16 = tpu.memref_slice %arg6[%dma_start3A_13, %dma_start3A_14, %dma_start3A_15] : memref<7x128x128xf32, #tpu.memory_space<vmem>> -> memref<1x128x128xf32, #tpu.memory_space<vmem>>
    %dma_start3A_17 = tpu.memref_squeeze %dma_start3A_16 : memref<1x128x128xf32, #tpu.memory_space<vmem>> -> memref<128x128xf32, #tpu.memory_space<vmem>>
    %dma_start3A_18 = arith.constant 0 : i32
    %dma_start3A_19 = tpu.memref_slice %arg5[%dma_start3A_12, %dma_start3A_18] : memref<50x128xi32, #tpu.memory_space<vmem>> -> memref<1x128xi32, #tpu.memory_space<vmem>>
    %dma_start3A_20 = tpu.memref_squeeze %dma_start3A_19 : memref<1x128xi32, #tpu.memory_space<vmem>> -> memref<128xi32, #tpu.memory_space<vmem>>
    %dma_start3A_21 = arith.constant 0 : i32
    %dma_start3A_22 = arith.constant 0 : i32
    %dma_start3A_23 = tpu.memref_slice %arg2[%dma_start3A_21, %dma_start3A_22] : memref<100000x128xf32, #tpu.memory_space<hbm>> -> memref<100000x128xf32, #tpu.memory_space<hbm>>
    tpu.enqueue_indirect_dma source(%dma_start3A_23 : memref<100000x128xf32, #tpu.memory_space<hbm>>) target(%dma_start3A_17 : memref<128x128xf32, #tpu.memory_space<vmem>>) offsets(%dma_start3A_20 : memref<128xi32, #tpu.memory_space<vmem>>) semaphore(%arg8 : memref<!tpu.dma_semaphore, #tpu.memory_space<semaphore_mem>>)
    %dma_start3A_24 = arith.constant 2 : i32
    %dma_start3A_25 = arith.constant 2 : i32
    %dma_start3A_26 = arith.constant 0 : i32
    %dma_start3A_27 = arith.constant 0 : i32
    %dma_start3A_28 = tpu.memref_slice %arg6[%dma_start3A_25, %dma_start3A_26, %dma_start3A_27] : memref<7x128x128xf32, #tpu.memory_space<vmem>> -> memref<1x128x128xf32, #tpu.memory_space<vmem>>
    %dma_start3A_29 = tpu.memref_squeeze %dma_start3A_28 : memref<1x128x128xf32, #tpu.memory_space<vmem>> -> memref<128x128xf32, #tpu.memory_space<vmem>>
    %dma_start3A_30 = arith.constant 0 : i32
    %dma_start3A_31 = tpu.memref_slice %arg5[%dma_start3A_24, %dma_start3A_30] : memref<50x128xi32, #tpu.memory_space<vmem>> -> memref<1x128xi32, #tpu.memory_space<vmem>>
    %dma_start3A_32 = tpu.memref_squeeze %dma_start3A_31 : memref<1x128xi32, #tpu.memory_space<vmem>> -> memref<128xi32, #tpu.memory_space<vmem>>
    %dma_start3A_33 = arith.constant 0 : i32
    %dma_start3A_34 = arith.constant 0 : i32
    %dma_start3A_35 = tpu.memref_slice %arg2[%dma_start3A_33, %dma_start3A_34] : memref<100000x128xf32, #tpu.memory_space<hbm>> -> memref<100000x128xf32, #tpu.memory_space<hbm>>
    tpu.enqueue_indirect_dma source(%dma_start3A_35 : memref<100000x128xf32, #tpu.memory_space<hbm>>) target(%dma_start3A_29 : memref<128x128xf32, #tpu.memory_space<vmem>>) offsets(%dma_start3A_32 : memref<128xi32, #tpu.memory_space<vmem>>) semaphore(%arg9 : memref<!tpu.dma_semaphore, #tpu.memory_space<semaphore_mem>>)
    %dma_start3A_36 = arith.constant 3 : i32
    %dma_start3A_37 = arith.constant 3 : i32
    %dma_start3A_38 = arith.constant 0 : i32
    %dma_start3A_39 = arith.constant 0 : i32
    %dma_start3A_40 = tpu.memref_slice %arg6[%dma_start3A_37, %dma_start3A_38, %dma_start3A_39] : memref<7x128x128xf32, #tpu.memory_space<vmem>> -> memref<1x128x128xf32, #tpu.memory_space<vmem>>
    %dma_start3A_41 = tpu.memref_squeeze %dma_start3A_40 : memref<1x128x128xf32, #tpu.memory_space<vmem>> -> memref<128x128xf32, #tpu.memory_space<vmem>>
    %dma_start3A_42 = arith.constant 0 : i32
    %dma_start3A_43 = tpu.memref_slice %arg5[%dma_start3A_36, %dma_start3A_42] : memref<50x128xi32, #tpu.memory_space<vmem>> -> memref<1x128xi32, #tpu.memory_space<vmem>>
    %dma_start3A_44 = tpu.memref_squeeze %dma_start3A_43 : memref<1x128xi32, #tpu.memory_space<vmem>> -> memref<128xi32, #tpu.memory_space<vmem>>
    %dma_start3A_45 = arith.constant 0 : i32
    %dma_start3A_46 = arith.constant 0 : i32
    %dma_start3A_47 = tpu.memref_slice %arg2[%dma_start3A_45, %dma_start3A_46] : memref<100000x128xf32, #tpu.memory_space<hbm>> -> memref<100000x128xf32, #tpu.memory_space<hbm>>
    tpu.enqueue_indirect_dma source(%dma_start3A_47 : memref<100000x128xf32, #tpu.memory_space<hbm>>) target(%dma_start3A_41 : memref<128x128xf32, #tpu.memory_space<vmem>>) offsets(%dma_start3A_44 : memref<128xi32, #tpu.memory_space<vmem>>) semaphore(%arg10 : memref<!tpu.dma_semaphore, #tpu.memory_space<semaphore_mem>>)
    %dma_start3A_48 = arith.constant 4 : i32
    %dma_start3A_49 = arith.constant 4 : i32
    %dma_start3A_50 = arith.constant 0 : i32
    %dma_start3A_51 = arith.constant 0 : i32
    %dma_start3A_52 = tpu.memref_slice %arg6[%dma_start3A_49, %dma_start3A_50, %dma_start3A_51] : memref<7x128x128xf32, #tpu.memory_space<vmem>> -> memref<1x128x128xf32, #tpu.memory_space<vmem>>
    %dma_start3A_53 = tpu.memref_squeeze %dma_start3A_52 : memref<1x128x128xf32, #tpu.memory_space<vmem>> -> memref<128x128xf32, #tpu.memory_space<vmem>>
    %dma_start3A_54 = arith.constant 0 : i32
    %dma_start3A_55 = tpu.memref_slice %arg5[%dma_start3A_48, %dma_start3A_54] : memref<50x128xi32, #tpu.memory_space<vmem>> -> memref<1x128xi32, #tpu.memory_space<vmem>>
    %dma_start3A_56 = tpu.memref_squeeze %dma_start3A_55 : memref<1x128xi32, #tpu.memory_space<vmem>> -> memref<128xi32, #tpu.memory_space<vmem>>
    %dma_start3A_57 = arith.constant 0 : i32
    %dma_start3A_58 = arith.constant 0 : i32
    %dma_start3A_59 = tpu.memref_slice %arg2[%dma_start3A_57, %dma_start3A_58] : memref<100000x128xf32, #tpu.memory_space<hbm>> -> memref<100000x128xf32, #tpu.memory_space<hbm>>
    tpu.enqueue_indirect_dma source(%dma_start3A_59 : memref<100000x128xf32, #tpu.memory_space<hbm>>) target(%dma_start3A_53 : memref<128x128xf32, #tpu.memory_space<vmem>>) offsets(%dma_start3A_56 : memref<128xi32, #tpu.memory_space<vmem>>) semaphore(%arg11 : memref<!tpu.dma_semaphore, #tpu.memory_space<semaphore_mem>>)
    %scan3A = arith.constant 0 : i32
    %scan3A_60 = arith.constant 8 : i32
    %scan3A_61 = arith.addi %scan3A, %scan3A_60 : i32
    %scan3A_62 = arith.constant 1 : i32
    scf.for %scan3A_189 = %scan3A to %scan3A_61 step %scan3A_62  : i32 {
      %mul3A_190 = arith.constant 7 : i32
      %mul3A_191 = arith.muli %scan3A_189, %mul3A_190 : i32
      %add3A_192 = arith.constant 0 : i32
      %add3A_193 = arith.addi %add3A_192, %mul3A_191 : i32
      %add3A_194 = arith.constant 0 : i32
      %add3A_195 = arith.addi %add3A_193, %add3A_194 : i32
      %lt3A = arith.constant 50 : i32
      %lt3A_196 = arith.cmpi slt, %add3A_195, %lt3A : i32
      %convert_element_type3A = arith.extui %lt3A_196 : i1 to i32
      %cond3A = arith.constant 0 : i32
      %cond3A_197 = arith.cmpi ne, %convert_element_type3A, %cond3A : i32
      scf.if %cond3A_197 {
        %dma_wait3A_240 = arith.constant 0 : i32
        %dma_wait3A_241 = arith.constant 0 : i32
        %dma_wait3A_242 = arith.constant 0 : i32
        %dma_wait3A_243 = tpu.memref_slice %arg6[%dma_wait3A_240, %dma_wait3A_241, %dma_wait3A_242] : memref<7x128x128xf32, #tpu.memory_space<vmem>> -> memref<1x128x128xf32, #tpu.memory_space<vmem>>
        %dma_wait3A_244 = tpu.memref_squeeze %dma_wait3A_243 : memref<1x128x128xf32, #tpu.memory_space<vmem>> -> memref<128x128xf32, #tpu.memory_space<vmem>>
        %dma_wait3A_245 = arith.constant 0 : i32
        %dma_wait3A_246 = tpu.memref_slice %arg5[%add3A_195, %dma_wait3A_245] : memref<50x128xi32, #tpu.memory_space<vmem>> -> memref<1x128xi32, #tpu.memory_space<vmem>>
        %dma_wait3A_247 = tpu.memref_squeeze %dma_wait3A_246 : memref<1x128xi32, #tpu.memory_space<vmem>> -> memref<128xi32, #tpu.memory_space<vmem>>
        %dma_wait3A_248 = arith.constant 0 : i32
        %dma_wait3A_249 = arith.constant 0 : i32
        %dma_wait3A_250 = tpu.memref_slice %arg2[%dma_wait3A_248, %dma_wait3A_249] : memref<100000x128xf32, #tpu.memory_space<hbm>> -> memref<100000x128xf32, #tpu.memory_space<hbm>>
        tpu.wait_indirect_dma semaphore(%arg7 : memref<!tpu.dma_semaphore, #tpu.memory_space<semaphore_mem>>) src(%dma_wait3A_250 : memref<100000x128xf32, #tpu.memory_space<hbm>>) dst(%dma_wait3A_244 : memref<128x128xf32, #tpu.memory_space<vmem>>)
        %dma_start3A_251 = arith.constant 0 : i32
        %dma_start3A_252 = arith.constant 0 : i32
        %dma_start3A_253 = arith.constant 0 : i32
        %dma_start3A_254 = tpu.memref_slice %arg6[%dma_start3A_251, %dma_start3A_252, %dma_start3A_253] : memref<7x128x128xf32, #tpu.memory_space<vmem>> -> memref<1x128x128xf32, #tpu.memory_space<vmem>>
        %dma_start3A_255 = tpu.memref_squeeze %dma_start3A_254 : memref<1x128x128xf32, #tpu.memory_space<vmem>> -> memref<128x128xf32, #tpu.memory_space<vmem>>
        %dma_start3A_256 = arith.constant 0 : i32
        %dma_start3A_257 = arith.constant 0 : i32
        %dma_start3A_258 = tpu.memref_slice %arg4[%add3A, %add3A_195, %dma_start3A_256, %dma_start3A_257] : memref<32x50x128x128xf32, #tpu.memory_space<hbm>> -> memref<1x1x128x128xf32, #tpu.memory_space<hbm>>
        %dma_start3A_259 = tpu.memref_squeeze %dma_start3A_258 : memref<1x1x128x128xf32, #tpu.memory_space<hbm>> -> memref<128x128xf32, #tpu.memory_space<hbm>>
        %dma_start3A_260 = arith.constant 0 : i32
        %dma_start3A_261 = arith.constant 0 : i32
        %dma_start3A_262 = tpu.memref_slice %arg4[%add3A, %add3A_195, %dma_start3A_260, %dma_start3A_261] : memref<32x50x128x128xf32, #tpu.memory_space<hbm>> -> memref<1x1x128x128xf32, #tpu.memory_space<hbm>>
        %dma_start3A_263 = tpu.memref_squeeze %dma_start3A_262 : memref<1x1x128x128xf32, #tpu.memory_space<hbm>> -> memref<128x128xf32, #tpu.memory_space<hbm>>
        %dma_start3A_264 = arith.constant 0 : i32
        %dma_start3A_265 = arith.constant 0 : i32
        %dma_start3A_266 = tpu.memref_slice %arg6[%dma_start3A_251, %dma_start3A_264, %dma_start3A_265] : memref<7x128x128xf32, #tpu.memory_space<vmem>> -> memref<1x128x128xf32, #tpu.memory_space<vmem>>
        %dma_start3A_267 = tpu.memref_squeeze %dma_start3A_266 : memref<1x128x128xf32, #tpu.memory_space<vmem>> -> memref<128x128xf32, #tpu.memory_space<vmem>>
        tpu.enqueue_dma source(%dma_start3A_267 : memref<128x128xf32, #tpu.memory_space<vmem>>) target(%dma_start3A_263 : memref<128x128xf32, #tpu.memory_space<hbm>>) target_semaphore(%arg14 : memref<!tpu.dma_semaphore, #tpu.memory_space<semaphore_mem>>)
        %add3A_268 = arith.constant 5 : i32
        %add3A_269 = arith.addi %add3A_195, %add3A_268 : i32
        %lt3A_270 = arith.constant 50 : i32
        %lt3A_271 = arith.cmpi slt, %add3A_269, %lt3A_270 : i32
        %convert_element_type3A_272 = arith.extui %lt3A_271 : i1 to i32
        %cond3A_273 = arith.constant 0 : i32
        %cond3A_274 = arith.cmpi ne, %convert_element_type3A_272, %cond3A_273 : i32
        scf.if %cond3A_274 {
          %ge3A = arith.constant 2 : i32
          %ge3A_275 = arith.cmpi sge, %add3A_195, %ge3A : i32
          %convert_element_type3A_276 = arith.extui %ge3A_275 : i1 to i32
          %cond3A_277 = arith.constant 0 : i32
          %cond3A_278 = arith.cmpi ne, %convert_element_type3A_276, %cond3A_277 : i32
          scf.if %cond3A_278 {
            %add3A_292 = arith.constant 5 : i32
            %add3A_293 = arith.addi %add3A_195, %add3A_292 : i32
            %sub3A = arith.constant 7 : i32
            %sub3A_294 = arith.subi %add3A_293, %sub3A : i32
            %dma_wait3A_295 = arith.constant 5 : i32
            %dma_wait3A_296 = arith.constant 0 : i32
            %dma_wait3A_297 = arith.constant 0 : i32
            %dma_wait3A_298 = tpu.memref_slice %arg6[%dma_wait3A_295, %dma_wait3A_296, %dma_wait3A_297] : memref<7x128x128xf32, #tpu.memory_space<vmem>> -> memref<1x128x128xf32, #tpu.memory_space<vmem>>
            %dma_wait3A_299 = tpu.memref_squeeze %dma_wait3A_298 : memref<1x128x128xf32, #tpu.memory_space<vmem>> -> memref<128x128xf32, #tpu.memory_space<vmem>>
            %dma_wait3A_300 = arith.constant 0 : i32
            %dma_wait3A_301 = arith.constant 0 : i32
            %dma_wait3A_302 = tpu.memref_slice %arg4[%add3A, %sub3A_294, %dma_wait3A_300, %dma_wait3A_301] : memref<32x50x128x128xf32, #tpu.memory_space<hbm>> -> memref<1x1x128x128xf32, #tpu.memory_space<hbm>>
            %dma_wait3A_303 = tpu.memref_squeeze %dma_wait3A_302 : memref<1x1x128x128xf32, #tpu.memory_space<hbm>> -> memref<128x128xf32, #tpu.memory_space<hbm>>
            %dma_wait3A_304 = arith.constant 0 : i32
            %dma_wait3A_305 = arith.constant 0 : i32
            %dma_wait3A_306 = tpu.memref_slice %arg4[%add3A, %sub3A_294, %dma_wait3A_304, %dma_wait3A_305] : memref<32x50x128x128xf32, #tpu.memory_space<hbm>> -> memref<1x1x128x128xf32, #tpu.memory_space<hbm>>
            %dma_wait3A_307 = tpu.memref_squeeze %dma_wait3A_306 : memref<1x1x128x128xf32, #tpu.memory_space<hbm>> -> memref<128x128xf32, #tpu.memory_space<hbm>>
            %dma_wait3A_308 = arith.constant 0 : i32
            %dma_wait3A_309 = arith.constant 0 : i32
            %dma_wait3A_310 = tpu.memref_slice %arg6[%dma_wait3A_295, %dma_wait3A_308, %dma_wait3A_309] : memref<7x128x128xf32, #tpu.memory_space<vmem>> -> memref<1x128x128xf32, #tpu.memory_space<vmem>>
            %dma_wait3A_311 = tpu.memref_squeeze %dma_wait3A_310 : memref<1x128x128xf32, #tpu.memory_space<vmem>> -> memref<128x128xf32, #tpu.memory_space<vmem>>
            tpu.wait_dma2 semaphore(%arg19 : memref<!tpu.dma_semaphore, #tpu.memory_space<semaphore_mem>>) src(%dma_wait3A_311 : memref<128x128xf32, #tpu.memory_space<vmem>>) dst(%dma_wait3A_307 : memref<128x128xf32, #tpu.memory_space<hbm>>)
          } else {
          }
          %add3A_279 = arith.constant 5 : i32
          %add3A_280 = arith.addi %add3A_195, %add3A_279 : i32
          %dma_start3A_281 = arith.constant 5 : i32
          %dma_start3A_282 = arith.constant 0 : i32
          %dma_start3A_283 = arith.constant 0 : i32
          %dma_start3A_284 = tpu.memref_slice %arg6[%dma_start3A_281, %dma_start3A_282, %dma_start3A_283] : memref<7x128x128xf32, #tpu.memory_space<vmem>> -> memref<1x128x128xf32, #tpu.memory_space<vmem>>
          %dma_start3A_285 = tpu.memref_squeeze %dma_start3A_284 : memref<1x128x128xf32, #tpu.memory_space<vmem>> -> memref<128x128xf32, #tpu.memory_space<vmem>>
          %dma_start3A_286 = arith.constant 0 : i32
          %dma_start3A_287 = tpu.memref_slice %arg5[%add3A_280, %dma_start3A_286] : memref<50x128xi32, #tpu.memory_space<vmem>> -> memref<1x128xi32, #tpu.memory_space<vmem>>
          %dma_start3A_288 = tpu.memref_squeeze %dma_start3A_287 : memref<1x128xi32, #tpu.memory_space<vmem>> -> memref<128xi32, #tpu.memory_space<vmem>>
          %dma_start3A_289 = arith.constant 0 : i32
          %dma_start3A_290 = arith.constant 0 : i32
          %dma_start3A_291 = tpu.memref_slice %arg2[%dma_start3A_289, %dma_start3A_290] : memref<100000x128xf32, #tpu.memory_space<hbm>> -> memref<100000x128xf32, #tpu.memory_space<hbm>>
          tpu.enqueue_indirect_dma source(%dma_start3A_291 : memref<100000x128xf32, #tpu.memory_space<hbm>>) target(%dma_start3A_285 : memref<128x128xf32, #tpu.memory_space<vmem>>) offsets(%dma_start3A_288 : memref<128xi32, #tpu.memory_space<vmem>>) semaphore(%arg12 : memref<!tpu.dma_semaphore, #tpu.memory_space<semaphore_mem>>)
        } else {
        }
      } else {
      }
      %add3A_198 = arith.constant 1 : i32
      %add3A_199 = arith.addi %add3A_193, %add3A_198 : i32
      %lt3A_200 = arith.constant 50 : i32
      %lt3A_201 = arith.cmpi slt, %add3A_199, %lt3A_200 : i32
      %convert_element_type3A_202 = arith.extui %lt3A_201 : i1 to i32
      %cond3A_203 = arith.constant 0 : i32
      %cond3A_204 = arith.cmpi ne, %convert_element_type3A_202, %cond3A_203 : i32
      scf.if %cond3A_204 {
        %dma_wait3A_240 = arith.constant 1 : i32
        %dma_wait3A_241 = arith.constant 0 : i32
        %dma_wait3A_242 = arith.constant 0 : i32
        %dma_wait3A_243 = tpu.memref_slice %arg6[%dma_wait3A_240, %dma_wait3A_241, %dma_wait3A_242] : memref<7x128x128xf32, #tpu.memory_space<vmem>> -> memref<1x128x128xf32, #tpu.memory_space<vmem>>
        %dma_wait3A_244 = tpu.memref_squeeze %dma_wait3A_243 : memref<1x128x128xf32, #tpu.memory_space<vmem>> -> memref<128x128xf32, #tpu.memory_space<vmem>>
        %dma_wait3A_245 = arith.constant 0 : i32
        %dma_wait3A_246 = tpu.memref_slice %arg5[%add3A_199, %dma_wait3A_245] : memref<50x128xi32, #tpu.memory_space<vmem>> -> memref<1x128xi32, #tpu.memory_space<vmem>>
        %dma_wait3A_247 = tpu.memref_squeeze %dma_wait3A_246 : memref<1x128xi32, #tpu.memory_space<vmem>> -> memref<128xi32, #tpu.memory_space<vmem>>
        %dma_wait3A_248 = arith.constant 0 : i32
        %dma_wait3A_249 = arith.constant 0 : i32
        %dma_wait3A_250 = tpu.memref_slice %arg2[%dma_wait3A_248, %dma_wait3A_249] : memref<100000x128xf32, #tpu.memory_space<hbm>> -> memref<100000x128xf32, #tpu.memory_space<hbm>>
        tpu.wait_indirect_dma semaphore(%arg8 : memref<!tpu.dma_semaphore, #tpu.memory_space<semaphore_mem>>) src(%dma_wait3A_250 : memref<100000x128xf32, #tpu.memory_space<hbm>>) dst(%dma_wait3A_244 : memref<128x128xf32, #tpu.memory_space<vmem>>)
        %dma_start3A_251 = arith.constant 1 : i32
        %dma_start3A_252 = arith.constant 0 : i32
        %dma_start3A_253 = arith.constant 0 : i32
        %dma_start3A_254 = tpu.memref_slice %arg6[%dma_start3A_251, %dma_start3A_252, %dma_start3A_253] : memref<7x128x128xf32, #tpu.memory_space<vmem>> -> memref<1x128x128xf32, #tpu.memory_space<vmem>>
        %dma_start3A_255 = tpu.memref_squeeze %dma_start3A_254 : memref<1x128x128xf32, #tpu.memory_space<vmem>> -> memref<128x128xf32, #tpu.memory_space<vmem>>
        %dma_start3A_256 = arith.constant 0 : i32
        %dma_start3A_257 = arith.constant 0 : i32
        %dma_start3A_258 = tpu.memref_slice %arg4[%add3A, %add3A_199, %dma_start3A_256, %dma_start3A_257] : memref<32x50x128x128xf32, #tpu.memory_space<hbm>> -> memref<1x1x128x128xf32, #tpu.memory_space<hbm>>
        %dma_start3A_259 = tpu.memref_squeeze %dma_start3A_258 : memref<1x1x128x128xf32, #tpu.memory_space<hbm>> -> memref<128x128xf32, #tpu.memory_space<hbm>>
        %dma_start3A_260 = arith.constant 0 : i32
        %dma_start3A_261 = arith.constant 0 : i32
        %dma_start3A_262 = tpu.memref_slice %arg4[%add3A, %add3A_199, %dma_start3A_260, %dma_start3A_261] : memref<32x50x128x128xf32, #tpu.memory_space<hbm>> -> memref<1x1x128x128xf32, #tpu.memory_space<hbm>>
        %dma_start3A_263 = tpu.memref_squeeze %dma_start3A_262 : memref<1x1x128x128xf32, #tpu.memory_space<hbm>> -> memref<128x128xf32, #tpu.memory_space<hbm>>
        %dma_start3A_264 = arith.constant 0 : i32
        %dma_start3A_265 = arith.constant 0 : i32
        %dma_start3A_266 = tpu.memref_slice %arg6[%dma_start3A_251, %dma_start3A_264, %dma_start3A_265] : memref<7x128x128xf32, #tpu.memory_space<vmem>> -> memref<1x128x128xf32, #tpu.memory_space<vmem>>
        %dma_start3A_267 = tpu.memref_squeeze %dma_start3A_266 : memref<1x128x128xf32, #tpu.memory_space<vmem>> -> memref<128x128xf32, #tpu.memory_space<vmem>>
        tpu.enqueue_dma source(%dma_start3A_267 : memref<128x128xf32, #tpu.memory_space<vmem>>) target(%dma_start3A_263 : memref<128x128xf32, #tpu.memory_space<hbm>>) target_semaphore(%arg15 : memref<!tpu.dma_semaphore, #tpu.memory_space<semaphore_mem>>)
        %add3A_268 = arith.constant 5 : i32
        %add3A_269 = arith.addi %add3A_199, %add3A_268 : i32
        %lt3A_270 = arith.constant 50 : i32
        %lt3A_271 = arith.cmpi slt, %add3A_269, %lt3A_270 : i32
        %convert_element_type3A_272 = arith.extui %lt3A_271 : i1 to i32
        %cond3A_273 = arith.constant 0 : i32
        %cond3A_274 = arith.cmpi ne, %convert_element_type3A_272, %cond3A_273 : i32
        scf.if %cond3A_274 {
          %ge3A = arith.constant 2 : i32
          %ge3A_275 = arith.cmpi sge, %add3A_199, %ge3A : i32
          %convert_element_type3A_276 = arith.extui %ge3A_275 : i1 to i32
          %cond3A_277 = arith.constant 0 : i32
          %cond3A_278 = arith.cmpi ne, %convert_element_type3A_276, %cond3A_277 : i32
          scf.if %cond3A_278 {
            %add3A_292 = arith.constant 5 : i32
            %add3A_293 = arith.addi %add3A_199, %add3A_292 : i32
            %sub3A = arith.constant 7 : i32
            %sub3A_294 = arith.subi %add3A_293, %sub3A : i32
            %dma_wait3A_295 = arith.constant 6 : i32
            %dma_wait3A_296 = arith.constant 0 : i32
            %dma_wait3A_297 = arith.constant 0 : i32
            %dma_wait3A_298 = tpu.memref_slice %arg6[%dma_wait3A_295, %dma_wait3A_296, %dma_wait3A_297] : memref<7x128x128xf32, #tpu.memory_space<vmem>> -> memref<1x128x128xf32, #tpu.memory_space<vmem>>
            %dma_wait3A_299 = tpu.memref_squeeze %dma_wait3A_298 : memref<1x128x128xf32, #tpu.memory_space<vmem>> -> memref<128x128xf32, #tpu.memory_space<vmem>>
            %dma_wait3A_300 = arith.constant 0 : i32
            %dma_wait3A_301 = arith.constant 0 : i32
            %dma_wait3A_302 = tpu.memref_slice %arg4[%add3A, %sub3A_294, %dma_wait3A_300, %dma_wait3A_301] : memref<32x50x128x128xf32, #tpu.memory_space<hbm>> -> memref<1x1x128x128xf32, #tpu.memory_space<hbm>>
            %dma_wait3A_303 = tpu.memref_squeeze %dma_wait3A_302 : memref<1x1x128x128xf32, #tpu.memory_space<hbm>> -> memref<128x128xf32, #tpu.memory_space<hbm>>
            %dma_wait3A_304 = arith.constant 0 : i32
            %dma_wait3A_305 = arith.constant 0 : i32
            %dma_wait3A_306 = tpu.memref_slice %arg4[%add3A, %sub3A_294, %dma_wait3A_304, %dma_wait3A_305] : memref<32x50x128x128xf32, #tpu.memory_space<hbm>> -> memref<1x1x128x128xf32, #tpu.memory_space<hbm>>
            %dma_wait3A_307 = tpu.memref_squeeze %dma_wait3A_306 : memref<1x1x128x128xf32, #tpu.memory_space<hbm>> -> memref<128x128xf32, #tpu.memory_space<hbm>>
            %dma_wait3A_308 = arith.constant 0 : i32
            %dma_wait3A_309 = arith.constant 0 : i32
            %dma_wait3A_310 = tpu.memref_slice %arg6[%dma_wait3A_295, %dma_wait3A_308, %dma_wait3A_309] : memref<7x128x128xf32, #tpu.memory_space<vmem>> -> memref<1x128x128xf32, #tpu.memory_space<vmem>>
            %dma_wait3A_311 = tpu.memref_squeeze %dma_wait3A_310 : memref<1x128x128xf32, #tpu.memory_space<vmem>> -> memref<128x128xf32, #tpu.memory_space<vmem>>
            tpu.wait_dma2 semaphore(%arg20 : memref<!tpu.dma_semaphore, #tpu.memory_space<semaphore_mem>>) src(%dma_wait3A_311 : memref<128x128xf32, #tpu.memory_space<vmem>>) dst(%dma_wait3A_307 : memref<128x128xf32, #tpu.memory_space<hbm>>)
          } else {
          }
          %add3A_279 = arith.constant 5 : i32
          %add3A_280 = arith.addi %add3A_199, %add3A_279 : i32
          %dma_start3A_281 = arith.constant 6 : i32
          %dma_start3A_282 = arith.constant 0 : i32
          %dma_start3A_283 = arith.constant 0 : i32
          %dma_start3A_284 = tpu.memref_slice %arg6[%dma_start3A_281, %dma_start3A_282, %dma_start3A_283] : memref<7x128x128xf32, #tpu.memory_space<vmem>> -> memref<1x128x128xf32, #tpu.memory_space<vmem>>
          %dma_start3A_285 = tpu.memref_squeeze %dma_start3A_284 : memref<1x128x128xf32, #tpu.memory_space<vmem>> -> memref<128x128xf32, #tpu.memory_space<vmem>>
          %dma_start3A_286 = arith.constant 0 : i32
          %dma_start3A_287 = tpu.memref_slice %arg5[%add3A_280, %dma_start3A_286] : memref<50x128xi32, #tpu.memory_space<vmem>> -> memref<1x128xi32, #tpu.memory_space<vmem>>
          %dma_start3A_288 = tpu.memref_squeeze %dma_start3A_287 : memref<1x128xi32, #tpu.memory_space<vmem>> -> memref<128xi32, #tpu.memory_space<vmem>>
          %dma_start3A_289 = arith.constant 0 : i32
          %dma_start3A_290 = arith.constant 0 : i32
          %dma_start3A_291 = tpu.memref_slice %arg2[%dma_start3A_289, %dma_start3A_290] : memref<100000x128xf32, #tpu.memory_space<hbm>> -> memref<100000x128xf32, #tpu.memory_space<hbm>>
          tpu.enqueue_indirect_dma source(%dma_start3A_291 : memref<100000x128xf32, #tpu.memory_space<hbm>>) target(%dma_start3A_285 : memref<128x128xf32, #tpu.memory_space<vmem>>) offsets(%dma_start3A_288 : memref<128xi32, #tpu.memory_space<vmem>>) semaphore(%arg13 : memref<!tpu.dma_semaphore, #tpu.memory_space<semaphore_mem>>)
        } else {
        }
      } else {
      }
      %add3A_205 = arith.constant 2 : i32
      %add3A_206 = arith.addi %add3A_193, %add3A_205 : i32
      %lt3A_207 = arith.constant 50 : i32
      %lt3A_208 = arith.cmpi slt, %add3A_206, %lt3A_207 : i32
      %convert_element_type3A_209 = arith.extui %lt3A_208 : i1 to i32
      %cond3A_210 = arith.constant 0 : i32
      %cond3A_211 = arith.cmpi ne, %convert_element_type3A_209, %cond3A_210 : i32
      scf.if %cond3A_211 {
        %dma_wait3A_240 = arith.constant 2 : i32
        %dma_wait3A_241 = arith.constant 0 : i32
        %dma_wait3A_242 = arith.constant 0 : i32
        %dma_wait3A_243 = tpu.memref_slice %arg6[%dma_wait3A_240, %dma_wait3A_241, %dma_wait3A_242] : memref<7x128x128xf32, #tpu.memory_space<vmem>> -> memref<1x128x128xf32, #tpu.memory_space<vmem>>
        %dma_wait3A_244 = tpu.memref_squeeze %dma_wait3A_243 : memref<1x128x128xf32, #tpu.memory_space<vmem>> -> memref<128x128xf32, #tpu.memory_space<vmem>>
        %dma_wait3A_245 = arith.constant 0 : i32
        %dma_wait3A_246 = tpu.memref_slice %arg5[%add3A_206, %dma_wait3A_245] : memref<50x128xi32, #tpu.memory_space<vmem>> -> memref<1x128xi32, #tpu.memory_space<vmem>>
        %dma_wait3A_247 = tpu.memref_squeeze %dma_wait3A_246 : memref<1x128xi32, #tpu.memory_space<vmem>> -> memref<128xi32, #tpu.memory_space<vmem>>
        %dma_wait3A_248 = arith.constant 0 : i32
        %dma_wait3A_249 = arith.constant 0 : i32
        %dma_wait3A_250 = tpu.memref_slice %arg2[%dma_wait3A_248, %dma_wait3A_249] : memref<100000x128xf32, #tpu.memory_space<hbm>> -> memref<100000x128xf32, #tpu.memory_space<hbm>>
        tpu.wait_indirect_dma semaphore(%arg9 : memref<!tpu.dma_semaphore, #tpu.memory_space<semaphore_mem>>) src(%dma_wait3A_250 : memref<100000x128xf32, #tpu.memory_space<hbm>>) dst(%dma_wait3A_244 : memref<128x128xf32, #tpu.memory_space<vmem>>)
        %dma_start3A_251 = arith.constant 2 : i32
        %dma_start3A_252 = arith.constant 0 : i32
        %dma_start3A_253 = arith.constant 0 : i32
        %dma_start3A_254 = tpu.memref_slice %arg6[%dma_start3A_251, %dma_start3A_252, %dma_start3A_253] : memref<7x128x128xf32, #tpu.memory_space<vmem>> -> memref<1x128x128xf32, #tpu.memory_space<vmem>>
        %dma_start3A_255 = tpu.memref_squeeze %dma_start3A_254 : memref<1x128x128xf32, #tpu.memory_space<vmem>> -> memref<128x128xf32, #tpu.memory_space<vmem>>
        %dma_start3A_256 = arith.constant 0 : i32
        %dma_start3A_257 = arith.constant 0 : i32
        %dma_start3A_258 = tpu.memref_slice %arg4[%add3A, %add3A_206, %dma_start3A_256, %dma_start3A_257] : memref<32x50x128x128xf32, #tpu.memory_space<hbm>> -> memref<1x1x128x128xf32, #tpu.memory_space<hbm>>
        %dma_start3A_259 = tpu.memref_squeeze %dma_start3A_258 : memref<1x1x128x128xf32, #tpu.memory_space<hbm>> -> memref<128x128xf32, #tpu.memory_space<hbm>>
        %dma_start3A_260 = arith.constant 0 : i32
        %dma_start3A_261 = arith.constant 0 : i32
        %dma_start3A_262 = tpu.memref_slice %arg4[%add3A, %add3A_206, %dma_start3A_260, %dma_start3A_261] : memref<32x50x128x128xf32, #tpu.memory_space<hbm>> -> memref<1x1x128x128xf32, #tpu.memory_space<hbm>>
        %dma_start3A_263 = tpu.memref_squeeze %dma_start3A_262 : memref<1x1x128x128xf32, #tpu.memory_space<hbm>> -> memref<128x128xf32, #tpu.memory_space<hbm>>
        %dma_start3A_264 = arith.constant 0 : i32
        %dma_start3A_265 = arith.constant 0 : i32
        %dma_start3A_266 = tpu.memref_slice %arg6[%dma_start3A_251, %dma_start3A_264, %dma_start3A_265] : memref<7x128x128xf32, #tpu.memory_space<vmem>> -> memref<1x128x128xf32, #tpu.memory_space<vmem>>
        %dma_start3A_267 = tpu.memref_squeeze %dma_start3A_266 : memref<1x128x128xf32, #tpu.memory_space<vmem>> -> memref<128x128xf32, #tpu.memory_space<vmem>>
        tpu.enqueue_dma source(%dma_start3A_267 : memref<128x128xf32, #tpu.memory_space<vmem>>) target(%dma_start3A_263 : memref<128x128xf32, #tpu.memory_space<hbm>>) target_semaphore(%arg16 : memref<!tpu.dma_semaphore, #tpu.memory_space<semaphore_mem>>)
        %add3A_268 = arith.constant 5 : i32
        %add3A_269 = arith.addi %add3A_206, %add3A_268 : i32
        %lt3A_270 = arith.constant 50 : i32
        %lt3A_271 = arith.cmpi slt, %add3A_269, %lt3A_270 : i32
        %convert_element_type3A_272 = arith.extui %lt3A_271 : i1 to i32
        %cond3A_273 = arith.constant 0 : i32
        %cond3A_274 = arith.cmpi ne, %convert_element_type3A_272, %cond3A_273 : i32
        scf.if %cond3A_274 {
          %ge3A = arith.constant 2 : i32
          %ge3A_275 = arith.cmpi sge, %add3A_206, %ge3A : i32
          %convert_element_type3A_276 = arith.extui %ge3A_275 : i1 to i32
          %cond3A_277 = arith.constant 0 : i32
          %cond3A_278 = arith.cmpi ne, %convert_element_type3A_276, %cond3A_277 : i32
          scf.if %cond3A_278 {
            %add3A_292 = arith.constant 5 : i32
            %add3A_293 = arith.addi %add3A_206, %add3A_292 : i32
            %sub3A = arith.constant 7 : i32
            %sub3A_294 = arith.subi %add3A_293, %sub3A : i32
            %dma_wait3A_295 = arith.constant 0 : i32
            %dma_wait3A_296 = arith.constant 0 : i32
            %dma_wait3A_297 = arith.constant 0 : i32
            %dma_wait3A_298 = tpu.memref_slice %arg6[%dma_wait3A_295, %dma_wait3A_296, %dma_wait3A_297] : memref<7x128x128xf32, #tpu.memory_space<vmem>> -> memref<1x128x128xf32, #tpu.memory_space<vmem>>
            %dma_wait3A_299 = tpu.memref_squeeze %dma_wait3A_298 : memref<1x128x128xf32, #tpu.memory_space<vmem>> -> memref<128x128xf32, #tpu.memory_space<vmem>>
            %dma_wait3A_300 = arith.constant 0 : i32
            %dma_wait3A_301 = arith.constant 0 : i32
            %dma_wait3A_302 = tpu.memref_slice %arg4[%add3A, %sub3A_294, %dma_wait3A_300, %dma_wait3A_301] : memref<32x50x128x128xf32, #tpu.memory_space<hbm>> -> memref<1x1x128x128xf32, #tpu.memory_space<hbm>>
            %dma_wait3A_303 = tpu.memref_squeeze %dma_wait3A_302 : memref<1x1x128x128xf32, #tpu.memory_space<hbm>> -> memref<128x128xf32, #tpu.memory_space<hbm>>
            %dma_wait3A_304 = arith.constant 0 : i32
            %dma_wait3A_305 = arith.constant 0 : i32
            %dma_wait3A_306 = tpu.memref_slice %arg4[%add3A, %sub3A_294, %dma_wait3A_304, %dma_wait3A_305] : memref<32x50x128x128xf32, #tpu.memory_space<hbm>> -> memref<1x1x128x128xf32, #tpu.memory_space<hbm>>
            %dma_wait3A_307 = tpu.memref_squeeze %dma_wait3A_306 : memref<1x1x128x128xf32, #tpu.memory_space<hbm>> -> memref<128x128xf32, #tpu.memory_space<hbm>>
            %dma_wait3A_308 = arith.constant 0 : i32
            %dma_wait3A_309 = arith.constant 0 : i32
            %dma_wait3A_310 = tpu.memref_slice %arg6[%dma_wait3A_295, %dma_wait3A_308, %dma_wait3A_309] : memref<7x128x128xf32, #tpu.memory_space<vmem>> -> memref<1x128x128xf32, #tpu.memory_space<vmem>>
            %dma_wait3A_311 = tpu.memref_squeeze %dma_wait3A_310 : memref<1x128x128xf32, #tpu.memory_space<vmem>> -> memref<128x128xf32, #tpu.memory_space<vmem>>
            tpu.wait_dma2 semaphore(%arg14 : memref<!tpu.dma_semaphore, #tpu.memory_space<semaphore_mem>>) src(%dma_wait3A_311 : memref<128x128xf32, #tpu.memory_space<vmem>>) dst(%dma_wait3A_307 : memref<128x128xf32, #tpu.memory_space<hbm>>)
          } else {
          }
          %add3A_279 = arith.constant 5 : i32
          %add3A_280 = arith.addi %add3A_206, %add3A_279 : i32
          %dma_start3A_281 = arith.constant 0 : i32
          %dma_start3A_282 = arith.constant 0 : i32
          %dma_start3A_283 = arith.constant 0 : i32
          %dma_start3A_284 = tpu.memref_slice %arg6[%dma_start3A_281, %dma_start3A_282, %dma_start3A_283] : memref<7x128x128xf32, #tpu.memory_space<vmem>> -> memref<1x128x128xf32, #tpu.memory_space<vmem>>
          %dma_start3A_285 = tpu.memref_squeeze %dma_start3A_284 : memref<1x128x128xf32, #tpu.memory_space<vmem>> -> memref<128x128xf32, #tpu.memory_space<vmem>>
          %dma_start3A_286 = arith.constant 0 : i32
          %dma_start3A_287 = tpu.memref_slice %arg5[%add3A_280, %dma_start3A_286] : memref<50x128xi32, #tpu.memory_space<vmem>> -> memref<1x128xi32, #tpu.memory_space<vmem>>
          %dma_start3A_288 = tpu.memref_squeeze %dma_start3A_287 : memref<1x128xi32, #tpu.memory_space<vmem>> -> memref<128xi32, #tpu.memory_space<vmem>>
          %dma_start3A_289 = arith.constant 0 : i32
          %dma_start3A_290 = arith.constant 0 : i32
          %dma_start3A_291 = tpu.memref_slice %arg2[%dma_start3A_289, %dma_start3A_290] : memref<100000x128xf32, #tpu.memory_space<hbm>> -> memref<100000x128xf32, #tpu.memory_space<hbm>>
          tpu.enqueue_indirect_dma source(%dma_start3A_291 : memref<100000x128xf32, #tpu.memory_space<hbm>>) target(%dma_start3A_285 : memref<128x128xf32, #tpu.memory_space<vmem>>) offsets(%dma_start3A_288 : memref<128xi32, #tpu.memory_space<vmem>>) semaphore(%arg7 : memref<!tpu.dma_semaphore, #tpu.memory_space<semaphore_mem>>)
        } else {
        }
      } else {
      }
      %add3A_212 = arith.constant 3 : i32
      %add3A_213 = arith.addi %add3A_193, %add3A_212 : i32
      %lt3A_214 = arith.constant 50 : i32
      %lt3A_215 = arith.cmpi slt, %add3A_213, %lt3A_214 : i32
      %convert_element_type3A_216 = arith.extui %lt3A_215 : i1 to i32
      %cond3A_217 = arith.constant 0 : i32
      %cond3A_218 = arith.cmpi ne, %convert_element_type3A_216, %cond3A_217 : i32
      scf.if %cond3A_218 {
        %dma_wait3A_240 = arith.constant 3 : i32
        %dma_wait3A_241 = arith.constant 0 : i32
        %dma_wait3A_242 = arith.constant 0 : i32
        %dma_wait3A_243 = tpu.memref_slice %arg6[%dma_wait3A_240, %dma_wait3A_241, %dma_wait3A_242] : memref<7x128x128xf32, #tpu.memory_space<vmem>> -> memref<1x128x128xf32, #tpu.memory_space<vmem>>
        %dma_wait3A_244 = tpu.memref_squeeze %dma_wait3A_243 : memref<1x128x128xf32, #tpu.memory_space<vmem>> -> memref<128x128xf32, #tpu.memory_space<vmem>>
        %dma_wait3A_245 = arith.constant 0 : i32
        %dma_wait3A_246 = tpu.memref_slice %arg5[%add3A_213, %dma_wait3A_245] : memref<50x128xi32, #tpu.memory_space<vmem>> -> memref<1x128xi32, #tpu.memory_space<vmem>>
        %dma_wait3A_247 = tpu.memref_squeeze %dma_wait3A_246 : memref<1x128xi32, #tpu.memory_space<vmem>> -> memref<128xi32, #tpu.memory_space<vmem>>
        %dma_wait3A_248 = arith.constant 0 : i32
        %dma_wait3A_249 = arith.constant 0 : i32
        %dma_wait3A_250 = tpu.memref_slice %arg2[%dma_wait3A_248, %dma_wait3A_249] : memref<100000x128xf32, #tpu.memory_space<hbm>> -> memref<100000x128xf32, #tpu.memory_space<hbm>>
        tpu.wait_indirect_dma semaphore(%arg10 : memref<!tpu.dma_semaphore, #tpu.memory_space<semaphore_mem>>) src(%dma_wait3A_250 : memref<100000x128xf32, #tpu.memory_space<hbm>>) dst(%dma_wait3A_244 : memref<128x128xf32, #tpu.memory_space<vmem>>)
        %dma_start3A_251 = arith.constant 3 : i32
        %dma_start3A_252 = arith.constant 0 : i32
        %dma_start3A_253 = arith.constant 0 : i32
        %dma_start3A_254 = tpu.memref_slice %arg6[%dma_start3A_251, %dma_start3A_252, %dma_start3A_253] : memref<7x128x128xf32, #tpu.memory_space<vmem>> -> memref<1x128x128xf32, #tpu.memory_space<vmem>>
        %dma_start3A_255 = tpu.memref_squeeze %dma_start3A_254 : memref<1x128x128xf32, #tpu.memory_space<vmem>> -> memref<128x128xf32, #tpu.memory_space<vmem>>
        %dma_start3A_256 = arith.constant 0 : i32
        %dma_start3A_257 = arith.constant 0 : i32
        %dma_start3A_258 = tpu.memref_slice %arg4[%add3A, %add3A_213, %dma_start3A_256, %dma_start3A_257] : memref<32x50x128x128xf32, #tpu.memory_space<hbm>> -> memref<1x1x128x128xf32, #tpu.memory_space<hbm>>
        %dma_start3A_259 = tpu.memref_squeeze %dma_start3A_258 : memref<1x1x128x128xf32, #tpu.memory_space<hbm>> -> memref<128x128xf32, #tpu.memory_space<hbm>>
        %dma_start3A_260 = arith.constant 0 : i32
        %dma_start3A_261 = arith.constant 0 : i32
        %dma_start3A_262 = tpu.memref_slice %arg4[%add3A, %add3A_213, %dma_start3A_260, %dma_start3A_261] : memref<32x50x128x128xf32, #tpu.memory_space<hbm>> -> memref<1x1x128x128xf32, #tpu.memory_space<hbm>>
        %dma_start3A_263 = tpu.memref_squeeze %dma_start3A_262 : memref<1x1x128x128xf32, #tpu.memory_space<hbm>> -> memref<128x128xf32, #tpu.memory_space<hbm>>
        %dma_start3A_264 = arith.constant 0 : i32
        %dma_start3A_265 = arith.constant 0 : i32
        %dma_start3A_266 = tpu.memref_slice %arg6[%dma_start3A_251, %dma_start3A_264, %dma_start3A_265] : memref<7x128x128xf32, #tpu.memory_space<vmem>> -> memref<1x128x128xf32, #tpu.memory_space<vmem>>
        %dma_start3A_267 = tpu.memref_squeeze %dma_start3A_266 : memref<1x128x128xf32, #tpu.memory_space<vmem>> -> memref<128x128xf32, #tpu.memory_space<vmem>>
        tpu.enqueue_dma source(%dma_start3A_267 : memref<128x128xf32, #tpu.memory_space<vmem>>) target(%dma_start3A_263 : memref<128x128xf32, #tpu.memory_space<hbm>>) target_semaphore(%arg17 : memref<!tpu.dma_semaphore, #tpu.memory_space<semaphore_mem>>)
        %add3A_268 = arith.constant 5 : i32
        %add3A_269 = arith.addi %add3A_213, %add3A_268 : i32
        %lt3A_270 = arith.constant 50 : i32
        %lt3A_271 = arith.cmpi slt, %add3A_269, %lt3A_270 : i32
        %convert_element_type3A_272 = arith.extui %lt3A_271 : i1 to i32
        %cond3A_273 = arith.constant 0 : i32
        %cond3A_274 = arith.cmpi ne, %convert_element_type3A_272, %cond3A_273 : i32
        scf.if %cond3A_274 {
          %ge3A = arith.constant 2 : i32
          %ge3A_275 = arith.cmpi sge, %add3A_213, %ge3A : i32
          %convert_element_type3A_276 = arith.extui %ge3A_275 : i1 to i32
          %cond3A_277 = arith.constant 0 : i32
          %cond3A_278 = arith.cmpi ne, %convert_element_type3A_276, %cond3A_277 : i32
          scf.if %cond3A_278 {
            %add3A_292 = arith.constant 5 : i32
            %add3A_293 = arith.addi %add3A_213, %add3A_292 : i32
            %sub3A = arith.constant 7 : i32
            %sub3A_294 = arith.subi %add3A_293, %sub3A : i32
            %dma_wait3A_295 = arith.constant 1 : i32
            %dma_wait3A_296 = arith.constant 0 : i32
            %dma_wait3A_297 = arith.constant 0 : i32
            %dma_wait3A_298 = tpu.memref_slice %arg6[%dma_wait3A_295, %dma_wait3A_296, %dma_wait3A_297] : memref<7x128x128xf32, #tpu.memory_space<vmem>> -> memref<1x128x128xf32, #tpu.memory_space<vmem>>
            %dma_wait3A_299 = tpu.memref_squeeze %dma_wait3A_298 : memref<1x128x128xf32, #tpu.memory_space<vmem>> -> memref<128x128xf32, #tpu.memory_space<vmem>>
            %dma_wait3A_300 = arith.constant 0 : i32
            %dma_wait3A_301 = arith.constant 0 : i32
            %dma_wait3A_302 = tpu.memref_slice %arg4[%add3A, %sub3A_294, %dma_wait3A_300, %dma_wait3A_301] : memref<32x50x128x128xf32, #tpu.memory_space<hbm>> -> memref<1x1x128x128xf32, #tpu.memory_space<hbm>>
            %dma_wait3A_303 = tpu.memref_squeeze %dma_wait3A_302 : memref<1x1x128x128xf32, #tpu.memory_space<hbm>> -> memref<128x128xf32, #tpu.memory_space<hbm>>
            %dma_wait3A_304 = arith.constant 0 : i32
            %dma_wait3A_305 = arith.constant 0 : i32
            %dma_wait3A_306 = tpu.memref_slice %arg4[%add3A, %sub3A_294, %dma_wait3A_304, %dma_wait3A_305] : memref<32x50x128x128xf32, #tpu.memory_space<hbm>> -> memref<1x1x128x128xf32, #tpu.memory_space<hbm>>
            %dma_wait3A_307 = tpu.memref_squeeze %dma_wait3A_306 : memref<1x1x128x128xf32, #tpu.memory_space<hbm>> -> memref<128x128xf32, #tpu.memory_space<hbm>>
            %dma_wait3A_308 = arith.constant 0 : i32
            %dma_wait3A_309 = arith.constant 0 : i32
            %dma_wait3A_310 = tpu.memref_slice %arg6[%dma_wait3A_295, %dma_wait3A_308, %dma_wait3A_309] : memref<7x128x128xf32, #tpu.memory_space<vmem>> -> memref<1x128x128xf32, #tpu.memory_space<vmem>>
            %dma_wait3A_311 = tpu.memref_squeeze %dma_wait3A_310 : memref<1x128x128xf32, #tpu.memory_space<vmem>> -> memref<128x128xf32, #tpu.memory_space<vmem>>
            tpu.wait_dma2 semaphore(%arg15 : memref<!tpu.dma_semaphore, #tpu.memory_space<semaphore_mem>>) src(%dma_wait3A_311 : memref<128x128xf32, #tpu.memory_space<vmem>>) dst(%dma_wait3A_307 : memref<128x128xf32, #tpu.memory_space<hbm>>)
          } else {
          }
          %add3A_279 = arith.constant 5 : i32
          %add3A_280 = arith.addi %add3A_213, %add3A_279 : i32
          %dma_start3A_281 = arith.constant 1 : i32
          %dma_start3A_282 = arith.constant 0 : i32
          %dma_start3A_283 = arith.constant 0 : i32
          %dma_start3A_284 = tpu.memref_slice %arg6[%dma_start3A_281, %dma_start3A_282, %dma_start3A_283] : memref<7x128x128xf32, #tpu.memory_space<vmem>> -> memref<1x128x128xf32, #tpu.memory_space<vmem>>
          %dma_start3A_285 = tpu.memref_squeeze %dma_start3A_284 : memref<1x128x128xf32, #tpu.memory_space<vmem>> -> memref<128x128xf32, #tpu.memory_space<vmem>>
          %dma_start3A_286 = arith.constant 0 : i32
          %dma_start3A_287 = tpu.memref_slice %arg5[%add3A_280, %dma_start3A_286] : memref<50x128xi32, #tpu.memory_space<vmem>> -> memref<1x128xi32, #tpu.memory_space<vmem>>
          %dma_start3A_288 = tpu.memref_squeeze %dma_start3A_287 : memref<1x128xi32, #tpu.memory_space<vmem>> -> memref<128xi32, #tpu.memory_space<vmem>>
          %dma_start3A_289 = arith.constant 0 : i32
          %dma_start3A_290 = arith.constant 0 : i32
          %dma_start3A_291 = tpu.memref_slice %arg2[%dma_start3A_289, %dma_start3A_290] : memref<100000x128xf32, #tpu.memory_space<hbm>> -> memref<100000x128xf32, #tpu.memory_space<hbm>>
          tpu.enqueue_indirect_dma source(%dma_start3A_291 : memref<100000x128xf32, #tpu.memory_space<hbm>>) target(%dma_start3A_285 : memref<128x128xf32, #tpu.memory_space<vmem>>) offsets(%dma_start3A_288 : memref<128xi32, #tpu.memory_space<vmem>>) semaphore(%arg8 : memref<!tpu.dma_semaphore, #tpu.memory_space<semaphore_mem>>)
        } else {
        }
      } else {
      }
      %add3A_219 = arith.constant 4 : i32
      %add3A_220 = arith.addi %add3A_193, %add3A_219 : i32
      %lt3A_221 = arith.constant 50 : i32
      %lt3A_222 = arith.cmpi slt, %add3A_220, %lt3A_221 : i32
      %convert_element_type3A_223 = arith.extui %lt3A_222 : i1 to i32
      %cond3A_224 = arith.constant 0 : i32
      %cond3A_225 = arith.cmpi ne, %convert_element_type3A_223, %cond3A_224 : i32
      scf.if %cond3A_225 {
        %dma_wait3A_240 = arith.constant 4 : i32
        %dma_wait3A_241 = arith.constant 0 : i32
        %dma_wait3A_242 = arith.constant 0 : i32
        %dma_wait3A_243 = tpu.memref_slice %arg6[%dma_wait3A_240, %dma_wait3A_241, %dma_wait3A_242] : memref<7x128x128xf32, #tpu.memory_space<vmem>> -> memref<1x128x128xf32, #tpu.memory_space<vmem>>
        %dma_wait3A_244 = tpu.memref_squeeze %dma_wait3A_243 : memref<1x128x128xf32, #tpu.memory_space<vmem>> -> memref<128x128xf32, #tpu.memory_space<vmem>>
        %dma_wait3A_245 = arith.constant 0 : i32
        %dma_wait3A_246 = tpu.memref_slice %arg5[%add3A_220, %dma_wait3A_245] : memref<50x128xi32, #tpu.memory_space<vmem>> -> memref<1x128xi32, #tpu.memory_space<vmem>>
        %dma_wait3A_247 = tpu.memref_squeeze %dma_wait3A_246 : memref<1x128xi32, #tpu.memory_space<vmem>> -> memref<128xi32, #tpu.memory_space<vmem>>
        %dma_wait3A_248 = arith.constant 0 : i32
        %dma_wait3A_249 = arith.constant 0 : i32
        %dma_wait3A_250 = tpu.memref_slice %arg2[%dma_wait3A_248, %dma_wait3A_249] : memref<100000x128xf32, #tpu.memory_space<hbm>> -> memref<100000x128xf32, #tpu.memory_space<hbm>>
        tpu.wait_indirect_dma semaphore(%arg11 : memref<!tpu.dma_semaphore, #tpu.memory_space<semaphore_mem>>) src(%dma_wait3A_250 : memref<100000x128xf32, #tpu.memory_space<hbm>>) dst(%dma_wait3A_244 : memref<128x128xf32, #tpu.memory_space<vmem>>)
        %dma_start3A_251 = arith.constant 4 : i32
        %dma_start3A_252 = arith.constant 0 : i32
        %dma_start3A_253 = arith.constant 0 : i32
        %dma_start3A_254 = tpu.memref_slice %arg6[%dma_start3A_251, %dma_start3A_252, %dma_start3A_253] : memref<7x128x128xf32, #tpu.memory_space<vmem>> -> memref<1x128x128xf32, #tpu.memory_space<vmem>>
        %dma_start3A_255 = tpu.memref_squeeze %dma_start3A_254 : memref<1x128x128xf32, #tpu.memory_space<vmem>> -> memref<128x128xf32, #tpu.memory_space<vmem>>
        %dma_start3A_256 = arith.constant 0 : i32
        %dma_start3A_257 = arith.constant 0 : i32
        %dma_start3A_258 = tpu.memref_slice %arg4[%add3A, %add3A_220, %dma_start3A_256, %dma_start3A_257] : memref<32x50x128x128xf32, #tpu.memory_space<hbm>> -> memref<1x1x128x128xf32, #tpu.memory_space<hbm>>
        %dma_start3A_259 = tpu.memref_squeeze %dma_start3A_258 : memref<1x1x128x128xf32, #tpu.memory_space<hbm>> -> memref<128x128xf32, #tpu.memory_space<hbm>>
        %dma_start3A_260 = arith.constant 0 : i32
        %dma_start3A_261 = arith.constant 0 : i32
        %dma_start3A_262 = tpu.memref_slice %arg4[%add3A, %add3A_220, %dma_start3A_260, %dma_start3A_261] : memref<32x50x128x128xf32, #tpu.memory_space<hbm>> -> memref<1x1x128x128xf32, #tpu.memory_space<hbm>>
        %dma_start3A_263 = tpu.memref_squeeze %dma_start3A_262 : memref<1x1x128x128xf32, #tpu.memory_space<hbm>> -> memref<128x128xf32, #tpu.memory_space<hbm>>
        %dma_start3A_264 = arith.constant 0 : i32
        %dma_start3A_265 = arith.constant 0 : i32
        %dma_start3A_266 = tpu.memref_slice %arg6[%dma_start3A_251, %dma_start3A_264, %dma_start3A_265] : memref<7x128x128xf32, #tpu.memory_space<vmem>> -> memref<1x128x128xf32, #tpu.memory_space<vmem>>
        %dma_start3A_267 = tpu.memref_squeeze %dma_start3A_266 : memref<1x128x128xf32, #tpu.memory_space<vmem>> -> memref<128x128xf32, #tpu.memory_space<vmem>>
        tpu.enqueue_dma source(%dma_start3A_267 : memref<128x128xf32, #tpu.memory_space<vmem>>) target(%dma_start3A_263 : memref<128x128xf32, #tpu.memory_space<hbm>>) target_semaphore(%arg18 : memref<!tpu.dma_semaphore, #tpu.memory_space<semaphore_mem>>)
        %add3A_268 = arith.constant 5 : i32
        %add3A_269 = arith.addi %add3A_220, %add3A_268 : i32
        %lt3A_270 = arith.constant 50 : i32
        %lt3A_271 = arith.cmpi slt, %add3A_269, %lt3A_270 : i32
        %convert_element_type3A_272 = arith.extui %lt3A_271 : i1 to i32
        %cond3A_273 = arith.constant 0 : i32
        %cond3A_274 = arith.cmpi ne, %convert_element_type3A_272, %cond3A_273 : i32
        scf.if %cond3A_274 {
          %ge3A = arith.constant 2 : i32
          %ge3A_275 = arith.cmpi sge, %add3A_220, %ge3A : i32
          %convert_element_type3A_276 = arith.extui %ge3A_275 : i1 to i32
          %cond3A_277 = arith.constant 0 : i32
          %cond3A_278 = arith.cmpi ne, %convert_element_type3A_276, %cond3A_277 : i32
          scf.if %cond3A_278 {
            %add3A_292 = arith.constant 5 : i32
            %add3A_293 = arith.addi %add3A_220, %add3A_292 : i32
            %sub3A = arith.constant 7 : i32
            %sub3A_294 = arith.subi %add3A_293, %sub3A : i32
            %dma_wait3A_295 = arith.constant 2 : i32
            %dma_wait3A_296 = arith.constant 0 : i32
            %dma_wait3A_297 = arith.constant 0 : i32
            %dma_wait3A_298 = tpu.memref_slice %arg6[%dma_wait3A_295, %dma_wait3A_296, %dma_wait3A_297] : memref<7x128x128xf32, #tpu.memory_space<vmem>> -> memref<1x128x128xf32, #tpu.memory_space<vmem>>
            %dma_wait3A_299 = tpu.memref_squeeze %dma_wait3A_298 : memref<1x128x128xf32, #tpu.memory_space<vmem>> -> memref<128x128xf32, #tpu.memory_space<vmem>>
            %dma_wait3A_300 = arith.constant 0 : i32
            %dma_wait3A_301 = arith.constant 0 : i32
            %dma_wait3A_302 = tpu.memref_slice %arg4[%add3A, %sub3A_294, %dma_wait3A_300, %dma_wait3A_301] : memref<32x50x128x128xf32, #tpu.memory_space<hbm>> -> memref<1x1x128x128xf32, #tpu.memory_space<hbm>>
            %dma_wait3A_303 = tpu.memref_squeeze %dma_wait3A_302 : memref<1x1x128x128xf32, #tpu.memory_space<hbm>> -> memref<128x128xf32, #tpu.memory_space<hbm>>
            %dma_wait3A_304 = arith.constant 0 : i32
            %dma_wait3A_305 = arith.constant 0 : i32
            %dma_wait3A_306 = tpu.memref_slice %arg4[%add3A, %sub3A_294, %dma_wait3A_304, %dma_wait3A_305] : memref<32x50x128x128xf32, #tpu.memory_space<hbm>> -> memref<1x1x128x128xf32, #tpu.memory_space<hbm>>
            %dma_wait3A_307 = tpu.memref_squeeze %dma_wait3A_306 : memref<1x1x128x128xf32, #tpu.memory_space<hbm>> -> memref<128x128xf32, #tpu.memory_space<hbm>>
            %dma_wait3A_308 = arith.constant 0 : i32
            %dma_wait3A_309 = arith.constant 0 : i32
            %dma_wait3A_310 = tpu.memref_slice %arg6[%dma_wait3A_295, %dma_wait3A_308, %dma_wait3A_309] : memref<7x128x128xf32, #tpu.memory_space<vmem>> -> memref<1x128x128xf32, #tpu.memory_space<vmem>>
            %dma_wait3A_311 = tpu.memref_squeeze %dma_wait3A_310 : memref<1x128x128xf32, #tpu.memory_space<vmem>> -> memref<128x128xf32, #tpu.memory_space<vmem>>
            tpu.wait_dma2 semaphore(%arg16 : memref<!tpu.dma_semaphore, #tpu.memory_space<semaphore_mem>>) src(%dma_wait3A_311 : memref<128x128xf32, #tpu.memory_space<vmem>>) dst(%dma_wait3A_307 : memref<128x128xf32, #tpu.memory_space<hbm>>)
          } else {
          }
          %add3A_279 = arith.constant 5 : i32
          %add3A_280 = arith.addi %add3A_220, %add3A_279 : i32
          %dma_start3A_281 = arith.constant 2 : i32
          %dma_start3A_282 = arith.constant 0 : i32
          %dma_start3A_283 = arith.constant 0 : i32
          %dma_start3A_284 = tpu.memref_slice %arg6[%dma_start3A_281, %dma_start3A_282, %dma_start3A_283] : memref<7x128x128xf32, #tpu.memory_space<vmem>> -> memref<1x128x128xf32, #tpu.memory_space<vmem>>
          %dma_start3A_285 = tpu.memref_squeeze %dma_start3A_284 : memref<1x128x128xf32, #tpu.memory_space<vmem>> -> memref<128x128xf32, #tpu.memory_space<vmem>>
          %dma_start3A_286 = arith.constant 0 : i32
          %dma_start3A_287 = tpu.memref_slice %arg5[%add3A_280, %dma_start3A_286] : memref<50x128xi32, #tpu.memory_space<vmem>> -> memref<1x128xi32, #tpu.memory_space<vmem>>
          %dma_start3A_288 = tpu.memref_squeeze %dma_start3A_287 : memref<1x128xi32, #tpu.memory_space<vmem>> -> memref<128xi32, #tpu.memory_space<vmem>>
          %dma_start3A_289 = arith.constant 0 : i32
          %dma_start3A_290 = arith.constant 0 : i32
          %dma_start3A_291 = tpu.memref_slice %arg2[%dma_start3A_289, %dma_start3A_290] : memref<100000x128xf32, #tpu.memory_space<hbm>> -> memref<100000x128xf32, #tpu.memory_space<hbm>>
          tpu.enqueue_indirect_dma source(%dma_start3A_291 : memref<100000x128xf32, #tpu.memory_space<hbm>>) target(%dma_start3A_285 : memref<128x128xf32, #tpu.memory_space<vmem>>) offsets(%dma_start3A_288 : memref<128xi32, #tpu.memory_space<vmem>>) semaphore(%arg9 : memref<!tpu.dma_semaphore, #tpu.memory_space<semaphore_mem>>)
        } else {
        }
      } else {
      }
      %add3A_226 = arith.constant 5 : i32
      %add3A_227 = arith.addi %add3A_193, %add3A_226 : i32
      %lt3A_228 = arith.constant 50 : i32
      %lt3A_229 = arith.cmpi slt, %add3A_227, %lt3A_228 : i32
      %convert_element_type3A_230 = arith.extui %lt3A_229 : i1 to i32
      %cond3A_231 = arith.constant 0 : i32
      %cond3A_232 = arith.cmpi ne, %convert_element_type3A_230, %cond3A_231 : i32
      scf.if %cond3A_232 {
        %dma_wait3A_240 = arith.constant 5 : i32
        %dma_wait3A_241 = arith.constant 0 : i32
        %dma_wait3A_242 = arith.constant 0 : i32
        %dma_wait3A_243 = tpu.memref_slice %arg6[%dma_wait3A_240, %dma_wait3A_241, %dma_wait3A_242] : memref<7x128x128xf32, #tpu.memory_space<vmem>> -> memref<1x128x128xf32, #tpu.memory_space<vmem>>
        %dma_wait3A_244 = tpu.memref_squeeze %dma_wait3A_243 : memref<1x128x128xf32, #tpu.memory_space<vmem>> -> memref<128x128xf32, #tpu.memory_space<vmem>>
        %dma_wait3A_245 = arith.constant 0 : i32
        %dma_wait3A_246 = tpu.memref_slice %arg5[%add3A_227, %dma_wait3A_245] : memref<50x128xi32, #tpu.memory_space<vmem>> -> memref<1x128xi32, #tpu.memory_space<vmem>>
        %dma_wait3A_247 = tpu.memref_squeeze %dma_wait3A_246 : memref<1x128xi32, #tpu.memory_space<vmem>> -> memref<128xi32, #tpu.memory_space<vmem>>
        %dma_wait3A_248 = arith.constant 0 : i32
        %dma_wait3A_249 = arith.constant 0 : i32
        %dma_wait3A_250 = tpu.memref_slice %arg2[%dma_wait3A_248, %dma_wait3A_249] : memref<100000x128xf32, #tpu.memory_space<hbm>> -> memref<100000x128xf32, #tpu.memory_space<hbm>>
        tpu.wait_indirect_dma semaphore(%arg12 : memref<!tpu.dma_semaphore, #tpu.memory_space<semaphore_mem>>) src(%dma_wait3A_250 : memref<100000x128xf32, #tpu.memory_space<hbm>>) dst(%dma_wait3A_244 : memref<128x128xf32, #tpu.memory_space<vmem>>)
        %dma_start3A_251 = arith.constant 5 : i32
        %dma_start3A_252 = arith.constant 0 : i32
        %dma_start3A_253 = arith.constant 0 : i32
        %dma_start3A_254 = tpu.memref_slice %arg6[%dma_start3A_251, %dma_start3A_252, %dma_start3A_253] : memref<7x128x128xf32, #tpu.memory_space<vmem>> -> memref<1x128x128xf32, #tpu.memory_space<vmem>>
        %dma_start3A_255 = tpu.memref_squeeze %dma_start3A_254 : memref<1x128x128xf32, #tpu.memory_space<vmem>> -> memref<128x128xf32, #tpu.memory_space<vmem>>
        %dma_start3A_256 = arith.constant 0 : i32
        %dma_start3A_257 = arith.constant 0 : i32
        %dma_start3A_258 = tpu.memref_slice %arg4[%add3A, %add3A_227, %dma_start3A_256, %dma_start3A_257] : memref<32x50x128x128xf32, #tpu.memory_space<hbm>> -> memref<1x1x128x128xf32, #tpu.memory_space<hbm>>
        %dma_start3A_259 = tpu.memref_squeeze %dma_start3A_258 : memref<1x1x128x128xf32, #tpu.memory_space<hbm>> -> memref<128x128xf32, #tpu.memory_space<hbm>>
        %dma_start3A_260 = arith.constant 0 : i32
        %dma_start3A_261 = arith.constant 0 : i32
        %dma_start3A_262 = tpu.memref_slice %arg4[%add3A, %add3A_227, %dma_start3A_260, %dma_start3A_261] : memref<32x50x128x128xf32, #tpu.memory_space<hbm>> -> memref<1x1x128x128xf32, #tpu.memory_space<hbm>>
        %dma_start3A_263 = tpu.memref_squeeze %dma_start3A_262 : memref<1x1x128x128xf32, #tpu.memory_space<hbm>> -> memref<128x128xf32, #tpu.memory_space<hbm>>
        %dma_start3A_264 = arith.constant 0 : i32
        %dma_start3A_265 = arith.constant 0 : i32
        %dma_start3A_266 = tpu.memref_slice %arg6[%dma_start3A_251, %dma_start3A_264, %dma_start3A_265] : memref<7x128x128xf32, #tpu.memory_space<vmem>> -> memref<1x128x128xf32, #tpu.memory_space<vmem>>
        %dma_start3A_267 = tpu.memref_squeeze %dma_start3A_266 : memref<1x128x128xf32, #tpu.memory_space<vmem>> -> memref<128x128xf32, #tpu.memory_space<vmem>>
        tpu.enqueue_dma source(%dma_start3A_267 : memref<128x128xf32, #tpu.memory_space<vmem>>) target(%dma_start3A_263 : memref<128x128xf32, #tpu.memory_space<hbm>>) target_semaphore(%arg19 : memref<!tpu.dma_semaphore, #tpu.memory_space<semaphore_mem>>)
        %add3A_268 = arith.constant 5 : i32
        %add3A_269 = arith.addi %add3A_227, %add3A_268 : i32
        %lt3A_270 = arith.constant 50 : i32
        %lt3A_271 = arith.cmpi slt, %add3A_269, %lt3A_270 : i32
        %convert_element_type3A_272 = arith.extui %lt3A_271 : i1 to i32
        %cond3A_273 = arith.constant 0 : i32
        %cond3A_274 = arith.cmpi ne, %convert_element_type3A_272, %cond3A_273 : i32
        scf.if %cond3A_274 {
          %ge3A = arith.constant 2 : i32
          %ge3A_275 = arith.cmpi sge, %add3A_227, %ge3A : i32
          %convert_element_type3A_276 = arith.extui %ge3A_275 : i1 to i32
          %cond3A_277 = arith.constant 0 : i32
          %cond3A_278 = arith.cmpi ne, %convert_element_type3A_276, %cond3A_277 : i32
          scf.if %cond3A_278 {
            %add3A_292 = arith.constant 5 : i32
            %add3A_293 = arith.addi %add3A_227, %add3A_292 : i32
            %sub3A = arith.constant 7 : i32
            %sub3A_294 = arith.subi %add3A_293, %sub3A : i32
            %dma_wait3A_295 = arith.constant 3 : i32
            %dma_wait3A_296 = arith.constant 0 : i32
            %dma_wait3A_297 = arith.constant 0 : i32
            %dma_wait3A_298 = tpu.memref_slice %arg6[%dma_wait3A_295, %dma_wait3A_296, %dma_wait3A_297] : memref<7x128x128xf32, #tpu.memory_space<vmem>> -> memref<1x128x128xf32, #tpu.memory_space<vmem>>
            %dma_wait3A_299 = tpu.memref_squeeze %dma_wait3A_298 : memref<1x128x128xf32, #tpu.memory_space<vmem>> -> memref<128x128xf32, #tpu.memory_space<vmem>>
            %dma_wait3A_300 = arith.constant 0 : i32
            %dma_wait3A_301 = arith.constant 0 : i32
            %dma_wait3A_302 = tpu.memref_slice %arg4[%add3A, %sub3A_294, %dma_wait3A_300, %dma_wait3A_301] : memref<32x50x128x128xf32, #tpu.memory_space<hbm>> -> memref<1x1x128x128xf32, #tpu.memory_space<hbm>>
            %dma_wait3A_303 = tpu.memref_squeeze %dma_wait3A_302 : memref<1x1x128x128xf32, #tpu.memory_space<hbm>> -> memref<128x128xf32, #tpu.memory_space<hbm>>
            %dma_wait3A_304 = arith.constant 0 : i32
            %dma_wait3A_305 = arith.constant 0 : i32
            %dma_wait3A_306 = tpu.memref_slice %arg4[%add3A, %sub3A_294, %dma_wait3A_304, %dma_wait3A_305] : memref<32x50x128x128xf32, #tpu.memory_space<hbm>> -> memref<1x1x128x128xf32, #tpu.memory_space<hbm>>
            %dma_wait3A_307 = tpu.memref_squeeze %dma_wait3A_306 : memref<1x1x128x128xf32, #tpu.memory_space<hbm>> -> memref<128x128xf32, #tpu.memory_space<hbm>>
            %dma_wait3A_308 = arith.constant 0 : i32
            %dma_wait3A_309 = arith.constant 0 : i32
            %dma_wait3A_310 = tpu.memref_slice %arg6[%dma_wait3A_295, %dma_wait3A_308, %dma_wait3A_309] : memref<7x128x128xf32, #tpu.memory_space<vmem>> -> memref<1x128x128xf32, #tpu.memory_space<vmem>>
            %dma_wait3A_311 = tpu.memref_squeeze %dma_wait3A_310 : memref<1x128x128xf32, #tpu.memory_space<vmem>> -> memref<128x128xf32, #tpu.memory_space<vmem>>
            tpu.wait_dma2 semaphore(%arg17 : memref<!tpu.dma_semaphore, #tpu.memory_space<semaphore_mem>>) src(%dma_wait3A_311 : memref<128x128xf32, #tpu.memory_space<vmem>>) dst(%dma_wait3A_307 : memref<128x128xf32, #tpu.memory_space<hbm>>)
          } else {
          }
          %add3A_279 = arith.constant 5 : i32
          %add3A_280 = arith.addi %add3A_227, %add3A_279 : i32
          %dma_start3A_281 = arith.constant 3 : i32
          %dma_start3A_282 = arith.constant 0 : i32
          %dma_start3A_283 = arith.constant 0 : i32
          %dma_start3A_284 = tpu.memref_slice %arg6[%dma_start3A_281, %dma_start3A_282, %dma_start3A_283] : memref<7x128x128xf32, #tpu.memory_space<vmem>> -> memref<1x128x128xf32, #tpu.memory_space<vmem>>
          %dma_start3A_285 = tpu.memref_squeeze %dma_start3A_284 : memref<1x128x128xf32, #tpu.memory_space<vmem>> -> memref<128x128xf32, #tpu.memory_space<vmem>>
          %dma_start3A_286 = arith.constant 0 : i32
          %dma_start3A_287 = tpu.memref_slice %arg5[%add3A_280, %dma_start3A_286] : memref<50x128xi32, #tpu.memory_space<vmem>> -> memref<1x128xi32, #tpu.memory_space<vmem>>
          %dma_start3A_288 = tpu.memref_squeeze %dma_start3A_287 : memref<1x128xi32, #tpu.memory_space<vmem>> -> memref<128xi32, #tpu.memory_space<vmem>>
          %dma_start3A_289 = arith.constant 0 : i32
          %dma_start3A_290 = arith.constant 0 : i32
          %dma_start3A_291 = tpu.memref_slice %arg2[%dma_start3A_289, %dma_start3A_290] : memref<100000x128xf32, #tpu.memory_space<hbm>> -> memref<100000x128xf32, #tpu.memory_space<hbm>>
          tpu.enqueue_indirect_dma source(%dma_start3A_291 : memref<100000x128xf32, #tpu.memory_space<hbm>>) target(%dma_start3A_285 : memref<128x128xf32, #tpu.memory_space<vmem>>) offsets(%dma_start3A_288 : memref<128xi32, #tpu.memory_space<vmem>>) semaphore(%arg10 : memref<!tpu.dma_semaphore, #tpu.memory_space<semaphore_mem>>)
        } else {
        }
      } else {
      }
      %add3A_233 = arith.constant 6 : i32
      %add3A_234 = arith.addi %add3A_193, %add3A_233 : i32
      %lt3A_235 = arith.constant 50 : i32
      %lt3A_236 = arith.cmpi slt, %add3A_234, %lt3A_235 : i32
      %convert_element_type3A_237 = arith.extui %lt3A_236 : i1 to i32
      %cond3A_238 = arith.constant 0 : i32
      %cond3A_239 = arith.cmpi ne, %convert_element_type3A_237, %cond3A_238 : i32
      scf.if %cond3A_239 {
        %dma_wait3A_240 = arith.constant 6 : i32
        %dma_wait3A_241 = arith.constant 0 : i32
        %dma_wait3A_242 = arith.constant 0 : i32
        %dma_wait3A_243 = tpu.memref_slice %arg6[%dma_wait3A_240, %dma_wait3A_241, %dma_wait3A_242] : memref<7x128x128xf32, #tpu.memory_space<vmem>> -> memref<1x128x128xf32, #tpu.memory_space<vmem>>
        %dma_wait3A_244 = tpu.memref_squeeze %dma_wait3A_243 : memref<1x128x128xf32, #tpu.memory_space<vmem>> -> memref<128x128xf32, #tpu.memory_space<vmem>>
        %dma_wait3A_245 = arith.constant 0 : i32
        %dma_wait3A_246 = tpu.memref_slice %arg5[%add3A_234, %dma_wait3A_245] : memref<50x128xi32, #tpu.memory_space<vmem>> -> memref<1x128xi32, #tpu.memory_space<vmem>>
        %dma_wait3A_247 = tpu.memref_squeeze %dma_wait3A_246 : memref<1x128xi32, #tpu.memory_space<vmem>> -> memref<128xi32, #tpu.memory_space<vmem>>
        %dma_wait3A_248 = arith.constant 0 : i32
        %dma_wait3A_249 = arith.constant 0 : i32
        %dma_wait3A_250 = tpu.memref_slice %arg2[%dma_wait3A_248, %dma_wait3A_249] : memref<100000x128xf32, #tpu.memory_space<hbm>> -> memref<100000x128xf32, #tpu.memory_space<hbm>>
        tpu.wait_indirect_dma semaphore(%arg13 : memref<!tpu.dma_semaphore, #tpu.memory_space<semaphore_mem>>) src(%dma_wait3A_250 : memref<100000x128xf32, #tpu.memory_space<hbm>>) dst(%dma_wait3A_244 : memref<128x128xf32, #tpu.memory_space<vmem>>)
        %dma_start3A_251 = arith.constant 6 : i32
        %dma_start3A_252 = arith.constant 0 : i32
        %dma_start3A_253 = arith.constant 0 : i32
        %dma_start3A_254 = tpu.memref_slice %arg6[%dma_start3A_251, %dma_start3A_252, %dma_start3A_253] : memref<7x128x128xf32, #tpu.memory_space<vmem>> -> memref<1x128x128xf32, #tpu.memory_space<vmem>>
        %dma_start3A_255 = tpu.memref_squeeze %dma_start3A_254 : memref<1x128x128xf32, #tpu.memory_space<vmem>> -> memref<128x128xf32, #tpu.memory_space<vmem>>
        %dma_start3A_256 = arith.constant 0 : i32
        %dma_start3A_257 = arith.constant 0 : i32
        %dma_start3A_258 = tpu.memref_slice %arg4[%add3A, %add3A_234, %dma_start3A_256, %dma_start3A_257] : memref<32x50x128x128xf32, #tpu.memory_space<hbm>> -> memref<1x1x128x128xf32, #tpu.memory_space<hbm>>
        %dma_start3A_259 = tpu.memref_squeeze %dma_start3A_258 : memref<1x1x128x128xf32, #tpu.memory_space<hbm>> -> memref<128x128xf32, #tpu.memory_space<hbm>>
        %dma_start3A_260 = arith.constant 0 : i32
        %dma_start3A_261 = arith.constant 0 : i32
        %dma_start3A_262 = tpu.memref_slice %arg4[%add3A, %add3A_234, %dma_start3A_260, %dma_start3A_261] : memref<32x50x128x128xf32, #tpu.memory_space<hbm>> -> memref<1x1x128x128xf32, #tpu.memory_space<hbm>>
        %dma_start3A_263 = tpu.memref_squeeze %dma_start3A_262 : memref<1x1x128x128xf32, #tpu.memory_space<hbm>> -> memref<128x128xf32, #tpu.memory_space<hbm>>
        %dma_start3A_264 = arith.constant 0 : i32
        %dma_start3A_265 = arith.constant 0 : i32
        %dma_start3A_266 = tpu.memref_slice %arg6[%dma_start3A_251, %dma_start3A_264, %dma_start3A_265] : memref<7x128x128xf32, #tpu.memory_space<vmem>> -> memref<1x128x128xf32, #tpu.memory_space<vmem>>
        %dma_start3A_267 = tpu.memref_squeeze %dma_start3A_266 : memref<1x128x128xf32, #tpu.memory_space<vmem>> -> memref<128x128xf32, #tpu.memory_space<vmem>>
        tpu.enqueue_dma source(%dma_start3A_267 : memref<128x128xf32, #tpu.memory_space<vmem>>) target(%dma_start3A_263 : memref<128x128xf32, #tpu.memory_space<hbm>>) target_semaphore(%arg20 : memref<!tpu.dma_semaphore, #tpu.memory_space<semaphore_mem>>)
        %add3A_268 = arith.constant 5 : i32
        %add3A_269 = arith.addi %add3A_234, %add3A_268 : i32
        %lt3A_270 = arith.constant 50 : i32
        %lt3A_271 = arith.cmpi slt, %add3A_269, %lt3A_270 : i32
        %convert_element_type3A_272 = arith.extui %lt3A_271 : i1 to i32
        %cond3A_273 = arith.constant 0 : i32
        %cond3A_274 = arith.cmpi ne, %convert_element_type3A_272, %cond3A_273 : i32
        scf.if %cond3A_274 {
          %ge3A = arith.constant 2 : i32
          %ge3A_275 = arith.cmpi sge, %add3A_234, %ge3A : i32
          %convert_element_type3A_276 = arith.extui %ge3A_275 : i1 to i32
          %cond3A_277 = arith.constant 0 : i32
          %cond3A_278 = arith.cmpi ne, %convert_element_type3A_276, %cond3A_277 : i32
          scf.if %cond3A_278 {
            %add3A_292 = arith.constant 5 : i32
            %add3A_293 = arith.addi %add3A_234, %add3A_292 : i32
            %sub3A = arith.constant 7 : i32
            %sub3A_294 = arith.subi %add3A_293, %sub3A : i32
            %dma_wait3A_295 = arith.constant 4 : i32
            %dma_wait3A_296 = arith.constant 0 : i32
            %dma_wait3A_297 = arith.constant 0 : i32
            %dma_wait3A_298 = tpu.memref_slice %arg6[%dma_wait3A_295, %dma_wait3A_296, %dma_wait3A_297] : memref<7x128x128xf32, #tpu.memory_space<vmem>> -> memref<1x128x128xf32, #tpu.memory_space<vmem>>
            %dma_wait3A_299 = tpu.memref_squeeze %dma_wait3A_298 : memref<1x128x128xf32, #tpu.memory_space<vmem>> -> memref<128x128xf32, #tpu.memory_space<vmem>>
            %dma_wait3A_300 = arith.constant 0 : i32
            %dma_wait3A_301 = arith.constant 0 : i32
            %dma_wait3A_302 = tpu.memref_slice %arg4[%add3A, %sub3A_294, %dma_wait3A_300, %dma_wait3A_301] : memref<32x50x128x128xf32, #tpu.memory_space<hbm>> -> memref<1x1x128x128xf32, #tpu.memory_space<hbm>>
            %dma_wait3A_303 = tpu.memref_squeeze %dma_wait3A_302 : memref<1x1x128x128xf32, #tpu.memory_space<hbm>> -> memref<128x128xf32, #tpu.memory_space<hbm>>
            %dma_wait3A_304 = arith.constant 0 : i32
            %dma_wait3A_305 = arith.constant 0 : i32
            %dma_wait3A_306 = tpu.memref_slice %arg4[%add3A, %sub3A_294, %dma_wait3A_304, %dma_wait3A_305] : memref<32x50x128x128xf32, #tpu.memory_space<hbm>> -> memref<1x1x128x128xf32, #tpu.memory_space<hbm>>
            %dma_wait3A_307 = tpu.memref_squeeze %dma_wait3A_306 : memref<1x1x128x128xf32, #tpu.memory_space<hbm>> -> memref<128x128xf32, #tpu.memory_space<hbm>>
            %dma_wait3A_308 = arith.constant 0 : i32
            %dma_wait3A_309 = arith.constant 0 : i32
            %dma_wait3A_310 = tpu.memref_slice %arg6[%dma_wait3A_295, %dma_wait3A_308, %dma_wait3A_309] : memref<7x128x128xf32, #tpu.memory_space<vmem>> -> memref<1x128x128xf32, #tpu.memory_space<vmem>>
            %dma_wait3A_311 = tpu.memref_squeeze %dma_wait3A_310 : memref<1x128x128xf32, #tpu.memory_space<vmem>> -> memref<128x128xf32, #tpu.memory_space<vmem>>
            tpu.wait_dma2 semaphore(%arg18 : memref<!tpu.dma_semaphore, #tpu.memory_space<semaphore_mem>>) src(%dma_wait3A_311 : memref<128x128xf32, #tpu.memory_space<vmem>>) dst(%dma_wait3A_307 : memref<128x128xf32, #tpu.memory_space<hbm>>)
          } else {
          }
          %add3A_279 = arith.constant 5 : i32
          %add3A_280 = arith.addi %add3A_234, %add3A_279 : i32
          %dma_start3A_281 = arith.constant 4 : i32
          %dma_start3A_282 = arith.constant 0 : i32
          %dma_start3A_283 = arith.constant 0 : i32
          %dma_start3A_284 = tpu.memref_slice %arg6[%dma_start3A_281, %dma_start3A_282, %dma_start3A_283] : memref<7x128x128xf32, #tpu.memory_space<vmem>> -> memref<1x128x128xf32, #tpu.memory_space<vmem>>
          %dma_start3A_285 = tpu.memref_squeeze %dma_start3A_284 : memref<1x128x128xf32, #tpu.memory_space<vmem>> -> memref<128x128xf32, #tpu.memory_space<vmem>>
          %dma_start3A_286 = arith.constant 0 : i32
          %dma_start3A_287 = tpu.memref_slice %arg5[%add3A_280, %dma_start3A_286] : memref<50x128xi32, #tpu.memory_space<vmem>> -> memref<1x128xi32, #tpu.memory_space<vmem>>
          %dma_start3A_288 = tpu.memref_squeeze %dma_start3A_287 : memref<1x128xi32, #tpu.memory_space<vmem>> -> memref<128xi32, #tpu.memory_space<vmem>>
          %dma_start3A_289 = arith.constant 0 : i32
          %dma_start3A_290 = arith.constant 0 : i32
          %dma_start3A_291 = tpu.memref_slice %arg2[%dma_start3A_289, %dma_start3A_290] : memref<100000x128xf32, #tpu.memory_space<hbm>> -> memref<100000x128xf32, #tpu.memory_space<hbm>>
          tpu.enqueue_indirect_dma source(%dma_start3A_291 : memref<100000x128xf32, #tpu.memory_space<hbm>>) target(%dma_start3A_285 : memref<128x128xf32, #tpu.memory_space<vmem>>) offsets(%dma_start3A_288 : memref<128xi32, #tpu.memory_space<vmem>>) semaphore(%arg11 : memref<!tpu.dma_semaphore, #tpu.memory_space<semaphore_mem>>)
        } else {
        }
      } else {
      }
    }
    %scan3A_63 = arith.constant 8 : i32
    %dma_wait3A = arith.constant 1 : i32
    %dma_wait3A_64 = arith.constant 43 : i32
    %dma_wait3A_65 = arith.constant 0 : i32
    %dma_wait3A_66 = arith.constant 0 : i32
    %dma_wait3A_67 = tpu.memref_slice %arg6[%dma_wait3A, %dma_wait3A_65, %dma_wait3A_66] : memref<7x128x128xf32, #tpu.memory_space<vmem>> -> memref<1x128x128xf32, #tpu.memory_space<vmem>>
    %dma_wait3A_68 = tpu.memref_squeeze %dma_wait3A_67 : memref<1x128x128xf32, #tpu.memory_space<vmem>> -> memref<128x128xf32, #tpu.memory_space<vmem>>
    %dma_wait3A_69 = arith.constant 0 : i32
    %dma_wait3A_70 = arith.constant 0 : i32
    %dma_wait3A_71 = tpu.memref_slice %arg4[%add3A, %dma_wait3A_64, %dma_wait3A_69, %dma_wait3A_70] : memref<32x50x128x128xf32, #tpu.memory_space<hbm>> -> memref<1x1x128x128xf32, #tpu.memory_space<hbm>>
    %dma_wait3A_72 = tpu.memref_squeeze %dma_wait3A_71 : memref<1x1x128x128xf32, #tpu.memory_space<hbm>> -> memref<128x128xf32, #tpu.memory_space<hbm>>
    %dma_wait3A_73 = arith.constant 0 : i32
    %dma_wait3A_74 = arith.constant 0 : i32
    %dma_wait3A_75 = tpu.memref_slice %arg4[%add3A, %dma_wait3A_64, %dma_wait3A_73, %dma_wait3A_74] : memref<32x50x128x128xf32, #tpu.memory_space<hbm>> -> memref<1x1x128x128xf32, #tpu.memory_space<hbm>>
    %dma_wait3A_76 = tpu.memref_squeeze %dma_wait3A_75 : memref<1x1x128x128xf32, #tpu.memory_space<hbm>> -> memref<128x128xf32, #tpu.memory_space<hbm>>
    %dma_wait3A_77 = arith.constant 0 : i32
    %dma_wait3A_78 = arith.constant 0 : i32
    %dma_wait3A_79 = tpu.memref_slice %arg6[%dma_wait3A, %dma_wait3A_77, %dma_wait3A_78] : memref<7x128x128xf32, #tpu.memory_space<vmem>> -> memref<1x128x128xf32, #tpu.memory_space<vmem>>
    %dma_wait3A_80 = tpu.memref_squeeze %dma_wait3A_79 : memref<1x128x128xf32, #tpu.memory_space<vmem>> -> memref<128x128xf32, #tpu.memory_space<vmem>>
    tpu.wait_dma2 semaphore(%arg15 : memref<!tpu.dma_semaphore, #tpu.memory_space<semaphore_mem>>) src(%dma_wait3A_80 : memref<128x128xf32, #tpu.memory_space<vmem>>) dst(%dma_wait3A_76 : memref<128x128xf32, #tpu.memory_space<hbm>>)
    %dma_wait3A_81 = arith.constant 2 : i32
    %dma_wait3A_82 = arith.constant 44 : i32
    %dma_wait3A_83 = arith.constant 0 : i32
    %dma_wait3A_84 = arith.constant 0 : i32
    %dma_wait3A_85 = tpu.memref_slice %arg6[%dma_wait3A_81, %dma_wait3A_83, %dma_wait3A_84] : memref<7x128x128xf32, #tpu.memory_space<vmem>> -> memref<1x128x128xf32, #tpu.memory_space<vmem>>
    %dma_wait3A_86 = tpu.memref_squeeze %dma_wait3A_85 : memref<1x128x128xf32, #tpu.memory_space<vmem>> -> memref<128x128xf32, #tpu.memory_space<vmem>>
    %dma_wait3A_87 = arith.constant 0 : i32
    %dma_wait3A_88 = arith.constant 0 : i32
    %dma_wait3A_89 = tpu.memref_slice %arg4[%add3A, %dma_wait3A_82, %dma_wait3A_87, %dma_wait3A_88] : memref<32x50x128x128xf32, #tpu.memory_space<hbm>> -> memref<1x1x128x128xf32, #tpu.memory_space<hbm>>
    %dma_wait3A_90 = tpu.memref_squeeze %dma_wait3A_89 : memref<1x1x128x128xf32, #tpu.memory_space<hbm>> -> memref<128x128xf32, #tpu.memory_space<hbm>>
    %dma_wait3A_91 = arith.constant 0 : i32
    %dma_wait3A_92 = arith.constant 0 : i32
    %dma_wait3A_93 = tpu.memref_slice %arg4[%add3A, %dma_wait3A_82, %dma_wait3A_91, %dma_wait3A_92] : memref<32x50x128x128xf32, #tpu.memory_space<hbm>> -> memref<1x1x128x128xf32, #tpu.memory_space<hbm>>
    %dma_wait3A_94 = tpu.memref_squeeze %dma_wait3A_93 : memref<1x1x128x128xf32, #tpu.memory_space<hbm>> -> memref<128x128xf32, #tpu.memory_space<hbm>>
    %dma_wait3A_95 = arith.constant 0 : i32
    %dma_wait3A_96 = arith.constant 0 : i32
    %dma_wait3A_97 = tpu.memref_slice %arg6[%dma_wait3A_81, %dma_wait3A_95, %dma_wait3A_96] : memref<7x128x128xf32, #tpu.memory_space<vmem>> -> memref<1x128x128xf32, #tpu.memory_space<vmem>>
    %dma_wait3A_98 = tpu.memref_squeeze %dma_wait3A_97 : memref<1x128x128xf32, #tpu.memory_space<vmem>> -> memref<128x128xf32, #tpu.memory_space<vmem>>
    tpu.wait_dma2 semaphore(%arg16 : memref<!tpu.dma_semaphore, #tpu.memory_space<semaphore_mem>>) src(%dma_wait3A_98 : memref<128x128xf32, #tpu.memory_space<vmem>>) dst(%dma_wait3A_94 : memref<128x128xf32, #tpu.memory_space<hbm>>)
    %dma_wait3A_99 = arith.constant 3 : i32
    %dma_wait3A_100 = arith.constant 45 : i32
    %dma_wait3A_101 = arith.constant 0 : i32
    %dma_wait3A_102 = arith.constant 0 : i32
    %dma_wait3A_103 = tpu.memref_slice %arg6[%dma_wait3A_99, %dma_wait3A_101, %dma_wait3A_102] : memref<7x128x128xf32, #tpu.memory_space<vmem>> -> memref<1x128x128xf32, #tpu.memory_space<vmem>>
    %dma_wait3A_104 = tpu.memref_squeeze %dma_wait3A_103 : memref<1x128x128xf32, #tpu.memory_space<vmem>> -> memref<128x128xf32, #tpu.memory_space<vmem>>
    %dma_wait3A_105 = arith.constant 0 : i32
    %dma_wait3A_106 = arith.constant 0 : i32
    %dma_wait3A_107 = tpu.memref_slice %arg4[%add3A, %dma_wait3A_100, %dma_wait3A_105, %dma_wait3A_106] : memref<32x50x128x128xf32, #tpu.memory_space<hbm>> -> memref<1x1x128x128xf32, #tpu.memory_space<hbm>>
    %dma_wait3A_108 = tpu.memref_squeeze %dma_wait3A_107 : memref<1x1x128x128xf32, #tpu.memory_space<hbm>> -> memref<128x128xf32, #tpu.memory_space<hbm>>
    %dma_wait3A_109 = arith.constant 0 : i32
    %dma_wait3A_110 = arith.constant 0 : i32
    %dma_wait3A_111 = tpu.memref_slice %arg4[%add3A, %dma_wait3A_100, %dma_wait3A_109, %dma_wait3A_110] : memref<32x50x128x128xf32, #tpu.memory_space<hbm>> -> memref<1x1x128x128xf32, #tpu.memory_space<hbm>>
    %dma_wait3A_112 = tpu.memref_squeeze %dma_wait3A_111 : memref<1x1x128x128xf32, #tpu.memory_space<hbm>> -> memref<128x128xf32, #tpu.memory_space<hbm>>
    %dma_wait3A_113 = arith.constant 0 : i32
    %dma_wait3A_114 = arith.constant 0 : i32
    %dma_wait3A_115 = tpu.memref_slice %arg6[%dma_wait3A_99, %dma_wait3A_113, %dma_wait3A_114] : memref<7x128x128xf32, #tpu.memory_space<vmem>> -> memref<1x128x128xf32, #tpu.memory_space<vmem>>
    %dma_wait3A_116 = tpu.memref_squeeze %dma_wait3A_115 : memref<1x128x128xf32, #tpu.memory_space<vmem>> -> memref<128x128xf32, #tpu.memory_space<vmem>>
    tpu.wait_dma2 semaphore(%arg17 : memref<!tpu.dma_semaphore, #tpu.memory_space<semaphore_mem>>) src(%dma_wait3A_116 : memref<128x128xf32, #tpu.memory_space<vmem>>) dst(%dma_wait3A_112 : memref<128x128xf32, #tpu.memory_space<hbm>>)
    %dma_wait3A_117 = arith.constant 4 : i32
    %dma_wait3A_118 = arith.constant 46 : i32
    %dma_wait3A_119 = arith.constant 0 : i32
    %dma_wait3A_120 = arith.constant 0 : i32
    %dma_wait3A_121 = tpu.memref_slice %arg6[%dma_wait3A_117, %dma_wait3A_119, %dma_wait3A_120] : memref<7x128x128xf32, #tpu.memory_space<vmem>> -> memref<1x128x128xf32, #tpu.memory_space<vmem>>
    %dma_wait3A_122 = tpu.memref_squeeze %dma_wait3A_121 : memref<1x128x128xf32, #tpu.memory_space<vmem>> -> memref<128x128xf32, #tpu.memory_space<vmem>>
    %dma_wait3A_123 = arith.constant 0 : i32
    %dma_wait3A_124 = arith.constant 0 : i32
    %dma_wait3A_125 = tpu.memref_slice %arg4[%add3A, %dma_wait3A_118, %dma_wait3A_123, %dma_wait3A_124] : memref<32x50x128x128xf32, #tpu.memory_space<hbm>> -> memref<1x1x128x128xf32, #tpu.memory_space<hbm>>
    %dma_wait3A_126 = tpu.memref_squeeze %dma_wait3A_125 : memref<1x1x128x128xf32, #tpu.memory_space<hbm>> -> memref<128x128xf32, #tpu.memory_space<hbm>>
    %dma_wait3A_127 = arith.constant 0 : i32
    %dma_wait3A_128 = arith.constant 0 : i32
    %dma_wait3A_129 = tpu.memref_slice %arg4[%add3A, %dma_wait3A_118, %dma_wait3A_127, %dma_wait3A_128] : memref<32x50x128x128xf32, #tpu.memory_space<hbm>> -> memref<1x1x128x128xf32, #tpu.memory_space<hbm>>
    %dma_wait3A_130 = tpu.memref_squeeze %dma_wait3A_129 : memref<1x1x128x128xf32, #tpu.memory_space<hbm>> -> memref<128x128xf32, #tpu.memory_space<hbm>>
    %dma_wait3A_131 = arith.constant 0 : i32
    %dma_wait3A_132 = arith.constant 0 : i32
    %dma_wait3A_133 = tpu.memref_slice %arg6[%dma_wait3A_117, %dma_wait3A_131, %dma_wait3A_132] : memref<7x128x128xf32, #tpu.memory_space<vmem>> -> memref<1x128x128xf32, #tpu.memory_space<vmem>>
    %dma_wait3A_134 = tpu.memref_squeeze %dma_wait3A_133 : memref<1x128x128xf32, #tpu.memory_space<vmem>> -> memref<128x128xf32, #tpu.memory_space<vmem>>
    tpu.wait_dma2 semaphore(%arg18 : memref<!tpu.dma_semaphore, #tpu.memory_space<semaphore_mem>>) src(%dma_wait3A_134 : memref<128x128xf32, #tpu.memory_space<vmem>>) dst(%dma_wait3A_130 : memref<128x128xf32, #tpu.memory_space<hbm>>)
    %dma_wait3A_135 = arith.constant 5 : i32
    %dma_wait3A_136 = arith.constant 47 : i32
    %dma_wait3A_137 = arith.constant 0 : i32
    %dma_wait3A_138 = arith.constant 0 : i32
    %dma_wait3A_139 = tpu.memref_slice %arg6[%dma_wait3A_135, %dma_wait3A_137, %dma_wait3A_138] : memref<7x128x128xf32, #tpu.memory_space<vmem>> -> memref<1x128x128xf32, #tpu.memory_space<vmem>>
    %dma_wait3A_140 = tpu.memref_squeeze %dma_wait3A_139 : memref<1x128x128xf32, #tpu.memory_space<vmem>> -> memref<128x128xf32, #tpu.memory_space<vmem>>
    %dma_wait3A_141 = arith.constant 0 : i32
    %dma_wait3A_142 = arith.constant 0 : i32
    %dma_wait3A_143 = tpu.memref_slice %arg4[%add3A, %dma_wait3A_136, %dma_wait3A_141, %dma_wait3A_142] : memref<32x50x128x128xf32, #tpu.memory_space<hbm>> -> memref<1x1x128x128xf32, #tpu.memory_space<hbm>>
    %dma_wait3A_144 = tpu.memref_squeeze %dma_wait3A_143 : memref<1x1x128x128xf32, #tpu.memory_space<hbm>> -> memref<128x128xf32, #tpu.memory_space<hbm>>
    %dma_wait3A_145 = arith.constant 0 : i32
    %dma_wait3A_146 = arith.constant 0 : i32
    %dma_wait3A_147 = tpu.memref_slice %arg4[%add3A, %dma_wait3A_136, %dma_wait3A_145, %dma_wait3A_146] : memref<32x50x128x128xf32, #tpu.memory_space<hbm>> -> memref<1x1x128x128xf32, #tpu.memory_space<hbm>>
    %dma_wait3A_148 = tpu.memref_squeeze %dma_wait3A_147 : memref<1x1x128x128xf32, #tpu.memory_space<hbm>> -> memref<128x128xf32, #tpu.memory_space<hbm>>
    %dma_wait3A_149 = arith.constant 0 : i32
    %dma_wait3A_150 = arith.constant 0 : i32
    %dma_wait3A_151 = tpu.memref_slice %arg6[%dma_wait3A_135, %dma_wait3A_149, %dma_wait3A_150] : memref<7x128x128xf32, #tpu.memory_space<vmem>> -> memref<1x128x128xf32, #tpu.memory_space<vmem>>
    %dma_wait3A_152 = tpu.memref_squeeze %dma_wait3A_151 : memref<1x128x128xf32, #tpu.memory_space<vmem>> -> memref<128x128xf32, #tpu.memory_space<vmem>>
    tpu.wait_dma2 semaphore(%arg19 : memref<!tpu.dma_semaphore, #tpu.memory_space<semaphore_mem>>) src(%dma_wait3A_152 : memref<128x128xf32, #tpu.memory_space<vmem>>) dst(%dma_wait3A_148 : memref<128x128xf32, #tpu.memory_space<hbm>>)
    %dma_wait3A_153 = arith.constant 6 : i32
    %dma_wait3A_154 = arith.constant 48 : i32
    %dma_wait3A_155 = arith.constant 0 : i32
    %dma_wait3A_156 = arith.constant 0 : i32
    %dma_wait3A_157 = tpu.memref_slice %arg6[%dma_wait3A_153, %dma_wait3A_155, %dma_wait3A_156] : memref<7x128x128xf32, #tpu.memory_space<vmem>> -> memref<1x128x128xf32, #tpu.memory_space<vmem>>
    %dma_wait3A_158 = tpu.memref_squeeze %dma_wait3A_157 : memref<1x128x128xf32, #tpu.memory_space<vmem>> -> memref<128x128xf32, #tpu.memory_space<vmem>>
    %dma_wait3A_159 = arith.constant 0 : i32
    %dma_wait3A_160 = arith.constant 0 : i32
    %dma_wait3A_161 = tpu.memref_slice %arg4[%add3A, %dma_wait3A_154, %dma_wait3A_159, %dma_wait3A_160] : memref<32x50x128x128xf32, #tpu.memory_space<hbm>> -> memref<1x1x128x128xf32, #tpu.memory_space<hbm>>
    %dma_wait3A_162 = tpu.memref_squeeze %dma_wait3A_161 : memref<1x1x128x128xf32, #tpu.memory_space<hbm>> -> memref<128x128xf32, #tpu.memory_space<hbm>>
    %dma_wait3A_163 = arith.constant 0 : i32
    %dma_wait3A_164 = arith.constant 0 : i32
    %dma_wait3A_165 = tpu.memref_slice %arg4[%add3A, %dma_wait3A_154, %dma_wait3A_163, %dma_wait3A_164] : memref<32x50x128x128xf32, #tpu.memory_space<hbm>> -> memref<1x1x128x128xf32, #tpu.memory_space<hbm>>
    %dma_wait3A_166 = tpu.memref_squeeze %dma_wait3A_165 : memref<1x1x128x128xf32, #tpu.memory_space<hbm>> -> memref<128x128xf32, #tpu.memory_space<hbm>>
    %dma_wait3A_167 = arith.constant 0 : i32
    %dma_wait3A_168 = arith.constant 0 : i32
    %dma_wait3A_169 = tpu.memref_slice %arg6[%dma_wait3A_153, %dma_wait3A_167, %dma_wait3A_168] : memref<7x128x128xf32, #tpu.memory_space<vmem>> -> memref<1x128x128xf32, #tpu.memory_space<vmem>>
    %dma_wait3A_170 = tpu.memref_squeeze %dma_wait3A_169 : memref<1x128x128xf32, #tpu.memory_space<vmem>> -> memref<128x128xf32, #tpu.memory_space<vmem>>
    tpu.wait_dma2 semaphore(%arg20 : memref<!tpu.dma_semaphore, #tpu.memory_space<semaphore_mem>>) src(%dma_wait3A_170 : memref<128x128xf32, #tpu.memory_space<vmem>>) dst(%dma_wait3A_166 : memref<128x128xf32, #tpu.memory_space<hbm>>)
    %dma_wait3A_171 = arith.constant 0 : i32
    %dma_wait3A_172 = arith.constant 49 : i32
    %dma_wait3A_173 = arith.constant 0 : i32
    %dma_wait3A_174 = arith.constant 0 : i32
    %dma_wait3A_175 = tpu.memref_slice %arg6[%dma_wait3A_171, %dma_wait3A_173, %dma_wait3A_174] : memref<7x128x128xf32, #tpu.memory_space<vmem>> -> memref<1x128x128xf32, #tpu.memory_space<vmem>>
    %dma_wait3A_176 = tpu.memref_squeeze %dma_wait3A_175 : memref<1x128x128xf32, #tpu.memory_space<vmem>> -> memref<128x128xf32, #tpu.memory_space<vmem>>
    %dma_wait3A_177 = arith.constant 0 : i32
    %dma_wait3A_178 = arith.constant 0 : i32
    %dma_wait3A_179 = tpu.memref_slice %arg4[%add3A, %dma_wait3A_172, %dma_wait3A_177, %dma_wait3A_178] : memref<32x50x128x128xf32, #tpu.memory_space<hbm>> -> memref<1x1x128x128xf32, #tpu.memory_space<hbm>>
    %dma_wait3A_180 = tpu.memref_squeeze %dma_wait3A_179 : memref<1x1x128x128xf32, #tpu.memory_space<hbm>> -> memref<128x128xf32, #tpu.memory_space<hbm>>
    %dma_wait3A_181 = arith.constant 0 : i32
    %dma_wait3A_182 = arith.constant 0 : i32
    %dma_wait3A_183 = tpu.memref_slice %arg4[%add3A, %dma_wait3A_172, %dma_wait3A_181, %dma_wait3A_182] : memref<32x50x128x128xf32, #tpu.memory_space<hbm>> -> memref<1x1x128x128xf32, #tpu.memory_space<hbm>>
    %dma_wait3A_184 = tpu.memref_squeeze %dma_wait3A_183 : memref<1x1x128x128xf32, #tpu.memory_space<hbm>> -> memref<128x128xf32, #tpu.memory_space<hbm>>
    %dma_wait3A_185 = arith.constant 0 : i32
    %dma_wait3A_186 = arith.constant 0 : i32
    %dma_wait3A_187 = tpu.memref_slice %arg6[%dma_wait3A_171, %dma_wait3A_185, %dma_wait3A_186] : memref<7x128x128xf32, #tpu.memory_space<vmem>> -> memref<1x128x128xf32, #tpu.memory_space<vmem>>
    %dma_wait3A_188 = tpu.memref_squeeze %dma_wait3A_187 : memref<1x128x128xf32, #tpu.memory_space<vmem>> -> memref<128x128xf32, #tpu.memory_space<vmem>>
    tpu.wait_dma2 semaphore(%arg14 : memref<!tpu.dma_semaphore, #tpu.memory_space<semaphore_mem>>) src(%dma_wait3A_188 : memref<128x128xf32, #tpu.memory_space<vmem>>) dst(%dma_wait3A_184 : memref<128x128xf32, #tpu.memory_space<hbm>>)
    return
  }
}

</mosaic_0001>

<sc_bundles>
// kernel: kernel.3.cloned.1.call-start
scs
__scs_entry_jumppad:
0x0: {  	(pc) =	sbr.rel $0x88, $3  }
0x1: {  	(tag) =	ssettag $0x0;
	lr =	simm.s32 $0x1  }
0x2: {  	[smem:$0x3F9F] =	sst lr;
	_ =	strace $0xD0000000  }
0x3: {  	_ = 	snop  }
0x4: {  	_ = 	snop  }
0x5: {  	_ = 	snop  }
0x6: {  	_ = 	snop  }
0x7: {  	_ = 	snop  }
__scs_overlays_trampoline_lowered:
0x8: {  	[smem:$0x3FAE] =	sst s0  }
0x9: {  	[smem:$0x3FAF] =	sst s1  }
0xa: {  	[smem:$0x3FB0] =	sst s2  }
0xb: {  	[smem:$0x3FB1] =	sst s3  }
0xc: {  	[smem:$0x3FB2] =	sst s4  }
0xd: {  	[smem:$0x3FB3] =	sst s5  }
0xe: {  	[smem:$0x3FB4] =	sst s6  }
0xf: {  	[smem:$0x3FB5] =	sst s7  }
0x10: {  	[smem:$0x3FB6] =	sst s8  }
0x11: {  	[smem:$0x3FB7] =	sst s9;
	s0 =	simm.s32 @!p0 $0x0  }
0x12: {  	s1 =	sld [smem:$0x3F9D];
	s0 =	simm.s32 @p0 $0x1  }
0x13: {  	[smem:$0x3FB8] =	sst s0;
	s0 =	simm.s32 @!p1 $0x0  }
0x14: {  	s2 =	sld [smem:$0x3F9C];
	s0 =	simm.s32 @p1 $0x1  }
0x15: {  	[smem:$0x3FB9] =	sst s0;
	s0 =	simm.s32 @!p2 $0x0  }
0x16: {  	s3 =	sld [smem:$0x3FDB];
	s0 =	simm.s32 @p2 $0x1  }
0x17: {  	s4 =	simm.s32 $0x1BF5;
	[smem:$0x3FBB] =	sst s0  }
0x18: {  	s0 =	sld [smem:$0x3F9E];
	_ =	swait.ge [sflag:s4], $0x0  }
0x19: {  	s7 =	sld [smem:$0x3F9F]  }
0x1a: {  	s8 =	sadd.s32 $0xFFFFE003, lr  }
0x1b: {  	s9 =	sadd.s32 $0xFFFFFEF7, lr;
	s5 =	simm.s32 $0xFFFFFFFF;
	p2 =	slt.u32 s8, $0xFFFFF086  }
0x1c: {  	p1 =	slt.u32 s9, $0xF7A;
	s5 =	simm.s32 @!p2 $0x0  }
0x1d: {  	s5 =	simm.s32 @p1 $0x1;
	p0 =	seq.s32 s7, s2  }
0x1e: {  	s7 =	smul.u32 @!p0 $0xF7A, s2;
	p2 =	seq.s32 @!p0 s5, $0x0  }
0x1f: {  	s9 =	smul.u32 $0xF7A, s1;
	s8 =	simm.s32 @!p0 $0x1BF5;
	p2 =	por !p2, p0  }
0x20: {  	[sflag:s8] =	ssyncset.s32 @!p0 $0xFFFFF086;
	s6 =	sadd.s32 @!p0 s3, s7;
	s7 =	simm.s32 @!p0 $0x108  }
0x21: {  	s3 =	sadd.s32 s3, s9;
	s6 =	sadd.s32 @!p0 $0x88, s6;
	s7 =	simm.s32 @p2 $0x1082  }
0x22: {  	[simem:s7], [sflag:s8] =	dma.local @!p0 [hbm:s6], $0xF7A  }
0x23: {  	s9 =	sor.u32 $0xD0000000, s2;
	s6 =	simm.s32 $0x108;
	_ =	swait.ge @!p0 [sflag:s8], $0x0  }
0x24: {  	s3 =	sadd.s32 $0x88, s3;
	s6 =	simm.s32 @!p1 $0x1082;
	[sflag:s4] =	ssyncset.s32 $0xFFFFF086  }
0x25: {  	[simem:s6], [sflag:s4] =	dma.local [hbm:s3], $0xF7A  }
0x26: {  	[smem:$0x3F9F] =	sst s1;
	(tag) =	ssettag s2;
	_ =	strace s9  }
0x27: {  	s1 =	sld [smem:$0x3FAF]  }
0x28: {  	s2 =	sld [smem:$0x3FB0]  }
0x29: {  	s4 =	sld [smem:$0x3FB2]  }
0x2a: {  	p0 =	seq.s32 s5, $0x0;
	s5 =	sld [smem:$0x3FB3]  }
0x2b: {  	s6 =	sld [smem:$0x3FB4]  }
0x2c: {  	s7 =	sld [smem:$0x3FB5]  }
0x2d: {  	s3 =	simm.s32 $0x108;
	s8 =	sld [smem:$0x3FB6]  }
0x2e: {  	s3 =	simm.s32 @!p0 $0x1082;
	s9 =	sld [smem:$0x3FB7]  }
0x2f: {  	lr =	sadd.s32 s0, s3;
	s0 =	sld [smem:$0x3FAE]  }
0x30: {  	s3 =	sld [smem:$0x3FB1]  }
0x31: {  	[smem:$0x3FBA] =	sst s10  }
0x32: {  	s10 =	sld [smem:$0x3FB8];
	_ =	sdelay $0x3  }
0x33: {  	p0 =	seq.s32 s10, $0x1;
	s10 =	sld [smem:$0x3FBA];
	_ =	sdelay $0x3  }
0x34: {  	[smem:$0x3FBA] =	sst s10  }
0x35: {  	s10 =	sld [smem:$0x3FB9];
	_ =	sdelay $0x3  }
0x36: {  	p1 =	seq.s32 s10, $0x1;
	s10 =	sld [smem:$0x3FBA];
	_ =	sdelay $0x3  }
0x37: {  	[smem:$0x3FBA] =	sst s10  }
0x38: {  	s10 =	sld [smem:$0x3FBB]  }
0x39: {  	_ = 	snop;
	(pc) =	sbr.ind lr, $3  }
0x3a: {  	_ = 	snop  }
0x3b: {  	_ = 	snop  }
0x3c: {  	p2 =	seq.s32 s10, $0x1;
	s10 =	sld [smem:$0x3FBA]  }
0x3d: {  	_ =	shalt  }
0x3e: {  	_ =	shalt  }
0x3f: {  	_ =	shalt  }
0x40: {  	_ =	shalt  }
0x41: {  	_ =	shalt  }
0x42: {  	_ =	shalt  }
0x43: {  	_ =	shalt  }
0x44: {  	_ =	shalt  }
0x45: {  	_ =	shalt  }
0x46: {  	_ =	shalt  }
0x47: {  	_ =	shalt  }
0x48: {  	_ =	shalt  }
0x49: {  	_ =	shalt  }
0x4a: {  	_ =	shalt  }
0x4b: {  	_ =	shalt  }
0x4c: {  	_ =	shalt  }
0x4d: {  	_ =	shalt  }
0x4e: {  	_ =	shalt  }
0x4f: {  	_ =	shalt  }
0x50: {  	_ =	shalt  }
0x51: {  	_ =	shalt  }
0x52: {  	_ =	shalt  }
0x53: {  	_ =	shalt  }
0x54: {  	_ =	shalt  }
0x55: {  	_ =	shalt  }
0x56: {  	_ =	shalt  }
0x57: {  	_ =	shalt  }
0x58: {  	_ =	shalt  }
0x59: {  	_ =	shalt  }
0x5a: {  	_ =	shalt  }
0x5b: {  	_ =	shalt  }
0x5c: {  	_ =	shalt  }
0x5d: {  	_ =	shalt  }
0x5e: {  	_ =	shalt  }
0x5f: {  	_ =	shalt  }
0x60: {  	_ =	shalt  }
0x61: {  	_ =	shalt  }
0x62: {  	_ =	shalt  }
0x63: {  	_ =	shalt  }
0x64: {  	_ =	shalt  }
0x65: {  	_ =	shalt  }
0x66: {  	_ =	shalt  }
0x67: {  	_ =	shalt  }
0x68: {  	_ =	shalt  }
0x69: {  	_ =	shalt  }
0x6a: {  	_ =	shalt  }
0x6b: {  	_ =	shalt  }
0x6c: {  	_ =	shalt  }
0x6d: {  	_ =	shalt  }
0x6e: {  	_ =	shalt  }
0x6f: {  	_ =	shalt  }
0x70: {  	_ =	shalt  }
0x71: {  	_ =	shalt  }
0x72: {  	_ =	shalt  }
0x73: {  	_ =	shalt  }
0x74: {  	_ =	shalt  }
0x75: {  	_ =	shalt  }
0x76: {  	_ =	shalt  }
0x77: {  	_ =	shalt  }
0x78: {  	_ =	shalt  }
0x79: {  	_ =	shalt  }
0x7a: {  	_ =	shalt  }
0x7b: {  	_ =	shalt  }
0x7c: {  	_ =	shalt  }
0x7d: {  	_ =	shalt  }
0x7e: {  	_ =	shalt  }
0x7f: {  	_ =	shalt  }
0x80: {  	_ =	shalt  }
0x81: {  	_ =	shalt  }
0x82: {  	_ =	shalt  }
0x83: {  	_ =	shalt  }
0x84: {  	_ =	shalt  }
0x85: {  	_ =	shalt  }
0x86: {  	_ =	shalt  }
0x87: {  	_ =	shalt  }
.Lfunc_end0:
.L_simem_size_0:
called_computation_lowered:
.L_overlay_start_0:
0x88: {  	s2 =	sld [smem:$0x3FD9]  }
0x89: {  	s3 =	sld [smem:$0x3FFE];
	_ =	sdelay $0x1  }
0x8a: {  	s1 =	srdreg.scid  }
0x8b: {  	s0 =	sand.u32 $0x1, s1  }
0x8c: {  	s17 =	sshll.u32 s0, $0xA;
	s2 =	sadd.s32 s3, s2  }
0x8d: {  	s2 =	sadd.s32 s2, s17  }
0x8e: {  	[smem:$0x3FC6] =	sst s2  }
0x8f: {  	_ = 	snop  }
0x90: {  	s2 =	sld [smem:$0x3FC8]  }
0x91: {  	s18 =	sld [smem:$0x3FD0];
	(tm) =	ssettm $0x1  }
0x92: {  	s4 =	sld [smem:$0x3FFB];
	_ =	sdelay $0x3  }
0x93: {  	_ =	strace s4  }
0x94: {  	s4 =	sld [smem:$0x3FFC];
	_ =	sdelay $0x3  }
0x95: {  	_ =	strace s4  }
0x96: {  	s4 =	sld [smem:$0x3FFD];
	_ =	sdelay $0x3  }
0x97: {  	_ =	strace s4  }
0x98: {  	_ =	strace $0x8FFFFFFF  }
0x99: {  	s19 =	sld [smem:$0x3FDB];
	_ =	sdelay $0x1  }
0x9a: {  	s5 =	simm.s32 $_scs_section_size  }
0x9b: {  	s6 =	simm.s32 $_size__tile_overlayer_lowered;
	s7 =	simm.s32 $_tile_overlayer_lowered  }
0x9c: {  	s22 =	simm.s32 $0x1BFF;
	s21 =	sshll.u32 s7, $0x1;
	s4 =	sadd.s32 s5, s19  }
0x9d: {  	s8 =	simm.s32 $0x0;
	s20 =	sshll.u32 s6, $0x1;
	s6 =	sadd.s32 s21, s4  }
0x9e: {  	[timem:s8], [sflag:s22] =	dma.local [hbm:s6], s20  }
0x9f: {  	_ =	swait.ge [sflag:s22], s20  }
0xa0: {  	s5 =	ssub.s32 $0x0, s20;
	[sflag:s22] =	ssyncset.done $0x0  }
0xa1: {  	[sflag:s22] =	ssyncadd.s32 s5;
	_ =	sdelay $0x1  }
0xa2: {  	s23 =	simm.s32 $0x1B8B  }
0xa3: {  	_ =	swait.ge [sflag:s23], $0x1  }
0xa4: {  	[sflag:s23] =	ssyncset.done $0x0  }
0xa5: {  	s25 =	simm.s32 $0x1B8E;
	s24 =	sld [smem:$0x3FFE];
	[sflag:s23] =	ssyncadd.s32 $0xFFFFFFFF  }
0xa6: {  	s26 =	simm.s32 $execute0_lowered;
	[smem:$0x3FD2] =	sst s25  }
0xa7: {  	s6 =	sshll.u32 s26, $0x1;
	_ =	strace $0x80000046;
	[dreg:$0x1] =	wrdreg $0xFFFFFFFF  }
0xa8: {  	s28 =	simm.s32 $_size_execute0_lowered;
	s4 =	sadd.s32 s4, s6;
	[dreg:$0x0] =	wrdreg $0x0  }
0xa9: {  	s6 =	sshll.u32 s28, $0x1;
	[dreg:$0x2] =	wrdreg s4  }
0xaa: {  	[dreg:$0x3] =	wrdreg s6  }
0xab: {  	[dreg:$0x4] =	wrdreg $0xC0  }
0xac: {  	_ =	task [dreg:s8], $0x5FFFF  }
0xad: {  	[dreg:$0x1] =	wrdreg $0xFFFFFFFF  }
0xae: {  	[dreg:$0x0] =	wrdreg $0x60  }
0xaf: {  	[dreg:$0x2] =	wrdreg s2  }
0xb0: {  	[dreg:$0x3] =	wrdreg s24  }
0xb1: {  	[dreg:$0x4] =	wrdreg s18  }
0xb2: {  	[dreg:$0x5] =	wrdreg $0x9  }
0xb3: {  	_ =	task.clear_ibuf [dreg:s8], $0x6FFFF;
	_ =	strace $0x90000046  }
0xb4: {  	s29 =	simm.s32 $0x9;
	_ =	strace $0x80000048  }
0xb5: {  	_ =	swait.ge [sflag:s29], $0x1  }
0xb6: {  	[sflag:s29] =	ssyncadd.s32 $0xFFFFFFFF  }
0xb7: {  	_ =	strace $0x90000048  }
0xb8: {  	_ =	sfence  }
0xb9: {  	s30 =	sld [smem:$0x0];
	_ =	sdelay $0x2  }
0xba: {  	s31 =	sshll.u32 s1, $0xD;
	s1 =	sshrl.u32 s1, $0x2  }
0xbb: {  	s3 =	sand.u32 $0x4000, s31;
	s1 =	sadd.s32 s1, s30  }
0xbc: {  	s0 =	sor.u32 s3, s0;
	s1 =	sshll.u32 s1, $0x11  }
0xbd: {  	s0 =	sor.u32 s1, s0  }
0xbe: {  	s0 =	sadd.s32 $0x8F2B, s0  }
0xbf: {  	[sflag:s0] =	ssyncadd.remote.s32 $0x1  }
0xc0: {  	_ =	sfence.sel $0xFFFF  }
0xc1: {  	[dreg:$0x0] =	wrdreg $0xFFFFFFFF;
	(pc) =	sbr.abs _section_cstart, $3  }
0xc2: {  	[dreg:$0x1] =	wrdreg $0xFFFFFFFF  }
0xc3: {  	_ =	task.clear_ibuf [dreg:s8], $0x2FFFF;
	_ =	strace $0x9FFFFFFF  }
0xc4: {  	(tm) =	ssettm $0x7FFFFFFF  }
0xc5: {  	_ =	shalt  }
tec
execute0_lowered:
.L_overlay_start_1:
0x0: {  	(tag) =	ssettag $0x1  }
0x1: {  	s0 =	srdreg.scid;
	s1 =	rddreg [dreg:$0x0]  }
0x2: {  	s6 =	stileid.u32;
	s4 =	rddreg [dreg:$0x1]  }
0x3: {  	s5 =	rddreg [dreg:$0x2];
	s3 =	simm.s32 $0x0;
	s28 =	simm.s32 $0x3  }
0x4: {  	s29 =	simm.s32 $0x8;
	s30 =	simm.s32 $0x4;
	s31 =	simm.s32 $0x6  }
0x5: {  	s0 =	sand.u32 $0x1, s0;
	s2 =	sshll.u32 s6, $0x1;
	s6 =	smul.u32 $0x190000, s6  }
0x6: {  	s2 =	sor.u32 s0, s2;
	s7 =	smul.u32 $0xC8000, s0;
	s0 =	ssub.s32 $0x2, s0  }
0x7: {  	[smem:$0x7FF] =	sst s3;
	s2 =	smul.u32 $0x380, s2;
	s13 =	sshrl.u32 s0, $0x1  }
0x8: {  	_ =	strace $0x80000047;
	s11 =	sadd.s32 s7, s6;
	s0 =	ssub.s32 s0, s13  }
0x9: {  	s2 =	sadd.s32 s2, s4;
	s14 =	sadd.s32 $0x18000, s11;
	s0 =	smax.u32 s0, $0x1  }
0xa: {  	s16 =	sadd.s32 $0x10000, s11;
	s18 =	sadd.s32 $0x14000, s11;
	s20 =	sadd.s32 $0xC000, s11  }
0xb: {  	s22 =	sadd.s32 $0x8000, s11;
	s24 =	sor.u32 $0x4000, s11;
	s26 =	sshrl.u32 s11, $0x3  }
0xc: {  	s2 =	sadd.s32 $0x400, s2;
	[dreg:$0x5] =	wrdreg s0;
	s15 =	sshrl.u32 s14, $0x3  }
0xd: {  	s17 =	sshrl.u32 s16, $0x3;
	s19 =	sshrl.u32 s18, $0x3;
	s21 =	sshrl.u32 s20, $0x3  }
0xe: {  	s23 =	sshrl.u32 s22, $0x3;
	s25 =	sshrl.u32 s24, $0x3;
	s12 =	sadd.s32 s26, s5  }
0xf: {  	s14 =	simm.s32 $0x80;
	s18 =	simm.s32 $0x9C00;
	s20 =	simm.s32 $0xDC00  }
.Ltmp0:
0x10: {  	s24 =	simm.s32 $0x15C00;
	s26 =	simm.s32 $0x19C00;
	(pc) =	sbr.rel .LBB2_1-.Ltmp0, $4  }
0x11: {  	[dreg:$0x4] =	wrdreg s2;
	s6 =	sadd.s32 s15, s5;
	s7 =	sadd.s32 s17, s5  }
0x12: {  	s8 =	sadd.s32 s19, s5;
	s9 =	sadd.s32 s21, s5;
	s10 =	sadd.s32 s23, s5  }
0x13: {  	s11 =	sadd.s32 s25, s5;
	s15 =	simm.s32 $0x1C00;
	s23 =	simm.s32 $0x1  }
0x14: {  	s25 =	simm.s32 $0x2;
	s21 =	simm.s32 $0xD;
	s2 =	simm.s32 $0x0  }
.LBB2_6:
0x15: {  	s0 =	simm.s32 $0x9  }
0x16: {  	_ =	swait.ge [sflag:s0], $0x4000  }
0x17: {  	[sflag:s0] =	ssyncset.done $0x0  }
0x18: {  	s13 =	simm.s32 $0xA;
	[sflag:s0] =	ssyncadd.s32 $0xFFFFC000  }
0x19: {  	_ =	swait.ge [sflag:s13], $0x4000  }
0x1a: {  	[sflag:s13] =	ssyncset.done $0x0  }
0x1b: {  	s16 =	simm.s32 $0xB;
	[sflag:s13] =	ssyncadd.s32 $0xFFFFC000  }
0x1c: {  	_ =	swait.ge [sflag:s16], $0x4000  }
0x1d: {  	[sflag:s16] =	ssyncset.done $0x0  }
0x1e: {  	s17 =	simm.s32 $0xC;
	[sflag:s16] =	ssyncadd.s32 $0xFFFFC000  }
0x1f: {  	_ =	swait.ge [sflag:s17], $0x4000  }
0x20: {  	[sflag:s17] =	ssyncset.done $0x0  }
0x21: {  	[sflag:s17] =	ssyncadd.s32 $0xFFFFC000  }
0x22: {  	_ =	swait.ge [sflag:s21], $0x4000  }
0x23: {  	[sflag:s21] =	ssyncset.done $0x0  }
0x24: {  	s19 =	simm.s32 $0xE;
	[sflag:s21] =	ssyncadd.s32 $0xFFFFC000  }
0x25: {  	_ =	swait.ge [sflag:s19], $0x4000  }
0x26: {  	[sflag:s19] =	ssyncset.done $0x0  }
0x27: {  	[sflag:s19] =	ssyncadd.s32 $0xFFFFC000  }
0x28: {  	_ =	swait.ge [sflag:s29], $0x4000  }
0x29: {  	s2 =	rddreg [dreg:$0x6]  }
0x2a: {  	s22 =	rddreg [dreg:$0x5];
	s2 =	sadd.s32 $0x1, s2  }
0x2b: {  	p0 =	sne.s32 s2, s22  }
.Ltmp1:
0x2c: {  	_ = 	snop;
	(pc) =	sbr.rel @!p0 .LBB2_7-.Ltmp1, $3  }
0x2d: {  	_ =	sdelay $0x1  }
0x2e: {  	[sflag:s29] =	ssyncset.done $0x0  }
0x2f: {  	[sflag:s29] =	ssyncadd.s32 $0xFFFFC000  }
.LBB2_1:
0x30: {  	[dreg:$0x6] =	wrdreg s2  }
0x31: {  	s0 =	rddreg [dreg:$0x4];
	s5 =	simm.s32 $0xF  }
0x32: {  	[tilespmem:s3], [sflag:$0xF] =	stream.linear.gather [hbm4b:s0+s3], $0x1900, $0x38;
	[tilespmem:$0x1DC00] =	vst v63  }
0x33: {  	_ =	swait.ge [sflag:s5], $0x1900  }
0x34: {  	[sflag:s5] =	ssyncset.done $0x0  }
0x35: {  	[sflag:s5] =	ssyncadd.s32 $0xFFFFE700  }
0x36: {  	[tilespmem:s15], [sflag:$0x1] =	stream.indirect.gather [hbm4b:s1+s14], $0x80, s3, s14, $0xb8;
	[tilespmem:$0x1DC00] =	vst v63  }
0x37: {  	s13 =	simm.s32 $0x5C00  }
0x38: {  	[tilespmem:s13], [sflag:$0x2] =	stream.indirect.gather [hbm4b:s1+s14], $0x80, s14, s14, $0xb8;
	[tilespmem:$0x1DC00] =	vst v63  }
0x39: {  	s16 =	simm.s32 $0x100  }
0x3a: {  	[tilespmem:s18], [sflag:$0x3] =	stream.indirect.gather [hbm4b:s1+s14], $0x80, s16, s14, $0xb8;
	[tilespmem:$0x1DC00] =	vst v63  }
.Ltmp2:
0x3b: {  	_ = 	snop;
	(pc) =	sbr.rel .LBB2_2-.Ltmp2, $4  }
0x3c: {  	s17 =	simm.s32 $0x180;
	s19 =	simm.s32 $0x200;
	s22 =	simm.s32 $0x11C00  }
0x3d: {  	[tilespmem:s20], [sflag:$0x4] =	stream.indirect.gather [hbm4b:s1+s14], $0x80, s17, s14, $0xb8;
	[tilespmem:$0x1DC00] =	vst v63  }
0x3e: {  	s2 =	simm.s32 $0x0;
	s5 =	simm.s32 $0x580;
	s13 =	simm.s32 $0x0  }
0x3f: {  	[tilespmem:s22], [sflag:$0x5] =	stream.indirect.gather [hbm4b:s1+s14], $0x80, s19, s14, $0xb8;
	[tilespmem:$0x1DC00] =	vst v63  }
.LBB2_5:
0x40: {  	s0 =	sadd.s32 $0xFFFFFD00, s5  }
0x41: {  	[tilespmem:s24], [sflag:$0x6] =	stream.indirect.gather [hbm4b:s1+s14], $0x80, s0, s14, $0xb8;
	[tilespmem:$0x1DC00] =	vst v63  }
0x42: {  	_ =	swait.ge [sflag:s25], $0x4000  }
0x43: {  	s16 =	sadd.s32 s13, s11;
	p0 =	seq.s32 s13, $0x0;
	[sflag:s25] =	ssyncset.done $0x0  }
0x44: {  	s4 =	simm.s32 $0x5C00;
	s0 =	simm.s32 @!p0 $0xE;
	[sflag:s25] =	ssyncadd.s32 $0xFFFFC000  }
0x45: {  	[hbm4b:s16+s3] =	stream.linear.scatter [tilespmem:s4], [sflag:$0x9], $0x4000, $0x38;
	[tilespmem:$0x1DC00] =	vst v63  }
0x46: {  	_ =	swait.ge @!p0 [sflag:s0], $0x4000  }
0x47: {  	[sflag:s0] =	ssyncset.done @!p0 $0x0  }
0x48: {  	s17 =	sadd.s32 $0xFFFFFD80, s5;
	[sflag:s0] =	ssyncadd.s32 @!p0 $0xFFFFC000  }
0x49: {  	[tilespmem:s26], [sflag:$0x7] =	stream.indirect.gather [hbm4b:s1+s14], $0x80, s17, s14, $0xb8;
	[tilespmem:$0x1DC00] =	vst v63  }
0x4a: {  	_ =	swait.ge [sflag:s28], $0x4000  }
0x4b: {  	[sflag:s28] =	ssyncset.done $0x0  }
0x4c: {  	s19 =	sadd.s32 s13, s10;
	[sflag:s28] =	ssyncadd.s32 $0xFFFFC000  }
0x4d: {  	[hbm4b:s19+s3] =	stream.linear.scatter [tilespmem:s18], [sflag:$0xA], $0x4000, $0x38;
	[tilespmem:$0x1DC00] =	vst v63  }
0x4e: {  	_ =	swait.ge [sflag:s29], $0x4000  }
0x4f: {  	[sflag:s29] =	ssyncset.done $0x0  }
0x50: {  	s22 =	sadd.s32 $0xFFFFFE00, s5;
	[sflag:s29] =	ssyncadd.s32 $0xFFFFC000  }
0x51: {  	[tilespmem:s15], [sflag:$0x1] =	stream.indirect.gather [hbm4b:s1+s14], $0x80, s22, s14, $0xb8;
	[tilespmem:$0x1DC00] =	vst v63  }
0x52: {  	_ =	swait.ge [sflag:s30], $0x4000  }
0x53: {  	p0 =	sgt.u32 s2, $0x5;
	[sflag:s30] =	ssyncset.done $0x0  }
0x54: {  	s4 =	sadd.s32 s13, s9;
	s0 =	simm.s32 @p0 $0x5;
	[sflag:s30] =	ssyncadd.s32 $0xFFFFC000  }
0x55: {  	[hbm4b:s4+s3] =	stream.linear.scatter [tilespmem:s20], [sflag:$0xB], $0x4000, $0x38;
	[tilespmem:$0x1DC00] =	vst v63  }
0x56: {  	_ =	swait.ge @p0 [sflag:s0], $0x4000  }
0x57: {  	s17 =	simm.s32 @p0 $0x0;
	[sflag:s0] =	ssyncset.done @p0 $0x0  }
0x58: {  	s19 =	simm.s32 @p0 $0x11C00;
	[sflag:s0] =	ssyncadd.s32 @p0 $0xFFFFC000;
	s0 =	sadd.s32 @p0 s13, s7  }
0x59: {  	[hbm4b:s0+s17] =	stream.linear.scatter @p0 [tilespmem:s19], [sflag:$0xC], $0x4000, $0x38;
	[tilespmem:$0x1DC00] =	vst v63  }
0x5a: {  	s0 =	simm.s32 @!p0 $0x9  }
0x5b: {  	_ =	swait.ge @!p0 [sflag:s0], $0x4000  }
0x5c: {  	s22 =	simm.s32 @!p0 $0x5C00;
	[sflag:s0] =	ssyncset.done @!p0 $0x0  }
0x5d: {  	s19 =	simm.s32 @!p0 $0x80;
	[sflag:s0] =	ssyncadd.s32 @!p0 $0xFFFFC000;
	s0 =	sadd.s32 @!p0 $0xFFFFFE80, s5  }
0x5e: {  	[tilespmem:s22], [sflag:$0x2] =	stream.indirect.gather @!p0 [hbm4b:s1+s19], $0x80, s0, s19, $0xb8;
	[tilespmem:$0x1DC00] =	vst v63  }
0x5f: {  	s0 =	simm.s32 @!p0 $0x5  }
0x60: {  	_ =	swait.ge @!p0 [sflag:s0], $0x4000  }
0x61: {  	s4 =	simm.s32 @!p0 $0x11C00;
	[sflag:s0] =	ssyncset.done @!p0 $0x0  }
0x62: {  	s22 =	simm.s32 @!p0 $0x0;
	[sflag:s0] =	ssyncadd.s32 @!p0 $0xFFFFC000;
	s0 =	sadd.s32 @!p0 s13, s7  }
0x63: {  	[hbm4b:s0+s22] =	stream.linear.scatter @!p0 [tilespmem:s4], [sflag:$0xC], $0x4000, $0x38;
	[tilespmem:$0x1DC00] =	vst v63  }
0x64: {  	s0 =	simm.s32 @!p0 $0xA  }
0x65: {  	_ =	swait.ge @!p0 [sflag:s0], $0x4000  }
0x66: {  	[sflag:s0] =	ssyncset.done @!p0 $0x0  }
0x67: {  	s16 =	simm.s32 @!p0 $0x9C00;
	[sflag:s0] =	ssyncadd.s32 @!p0 $0xFFFFC000;
	s0 =	sadd.s32 @!p0 $0xFFFFFF00, s5  }
0x68: {  	[tilespmem:s16], [sflag:$0x3] =	stream.indirect.gather @!p0 [hbm4b:s1+s19], $0x80, s0, s19, $0xb8;
	[tilespmem:$0x1DC00] =	vst v63  }
0x69: {  	_ =	swait.ge [sflag:s31], $0x4000  }
0x6a: {  	[sflag:s31] =	ssyncset.done $0x0  }
0x6b: {  	s16 =	sadd.s32 s13, s8;
	s0 =	simm.s32 @p0 $0x7;
	[sflag:s31] =	ssyncadd.s32 $0xFFFFC000  }
0x6c: {  	[hbm4b:s16+s3] =	stream.linear.scatter [tilespmem:s24], [sflag:$0xD], $0x4000, $0x38;
	[tilespmem:$0x1DC00] =	vst v63  }
0x6d: {  	_ =	swait.ge @p0 [sflag:s0], $0x4000  }
0x6e: {  	[sflag:s0] =	ssyncset.done @p0 $0x0  }
0x6f: {  	s16 =	simm.s32 @p0 $0x19C00;
	[sflag:s0] =	ssyncadd.s32 @p0 $0xFFFFC000;
	s0 =	sadd.s32 @p0 s13, s6  }
0x70: {  	[hbm4b:s0+s17] =	stream.linear.scatter @p0 [tilespmem:s16], [sflag:$0xE], $0x4000, $0x38;
	[tilespmem:$0x1DC00] =	vst v63  }
0x71: {  	s0 =	simm.s32 @!p0 $0xB  }
0x72: {  	_ =	swait.ge @!p0 [sflag:s0], $0x4000  }
0x73: {  	[sflag:s0] =	ssyncset.done @!p0 $0x0  }
0x74: {  	s16 =	simm.s32 @!p0 $0xDC00;
	[sflag:s0] =	ssyncadd.s32 @!p0 $0xFFFFC000;
	s0 =	sadd.s32 @!p0 $0xFFFFFF80, s5  }
0x75: {  	[tilespmem:s16], [sflag:$0x4] =	stream.indirect.gather @!p0 [hbm4b:s1+s19], $0x80, s0, s19, $0xb8;
	[tilespmem:$0x1DC00] =	vst v63  }
0x76: {  	s0 =	simm.s32 @!p0 $0x7  }
0x77: {  	_ =	swait.ge @!p0 [sflag:s0], $0x4000  }
0x78: {  	[sflag:s0] =	ssyncset.done @!p0 $0x0  }
0x79: {  	s16 =	simm.s32 @!p0 $0x19C00;
	[sflag:s0] =	ssyncadd.s32 @!p0 $0xFFFFC000;
	s0 =	sadd.s32 @!p0 s13, s6  }
0x7a: {  	[hbm4b:s0+s22] =	stream.linear.scatter @!p0 [tilespmem:s16], [sflag:$0xE], $0x4000, $0x38;
	[tilespmem:$0x1DC00] =	vst v63  }
0x7b: {  	s0 =	simm.s32 @!p0 $0xC  }
0x7c: {  	_ =	swait.ge @!p0 [sflag:s0], $0x4000  }
0x7d: {  	[sflag:s0] =	ssyncset.done @!p0 $0x0  }
0x7e: {  	s13 =	sadd.s32 $0x3800, s13;
	[sflag:s0] =	ssyncadd.s32 @!p0 $0xFFFFC000  }
0x7f: {  	[tilespmem:s4], [sflag:$0x5] =	stream.indirect.gather @!p0 [hbm4b:s1+s19], $0x80, s5, s19, $0xb8;
	[tilespmem:$0x1DC00] =	vst v63  }
0x80: {  	p0 =	sne.s32 s13, $0x1C000  }
.Ltmp3:
0x81: {  	_ = 	snop;
	(pc) =	sbr.rel @!p0 .LBB2_6-.Ltmp3, $2  }
0x82: {  	_ =	sdelay $0x2  }
0x83: {  	s2 =	sadd.s32 $0x1, s2;
	s5 =	sadd.s32 $0x380, s5  }
.LBB2_2:
0x84: {  	p0 =	seq.s32 s2, $0x0  }
.Ltmp4:
0x85: {  	_ = 	snop;
	(pc) =	sbr.rel @p0 .LBB2_5-.Ltmp4, $4  }
0x86: {  	_ =	swait.ge [sflag:s23], $0x4000  }
0x87: {  	[sflag:s23] =	ssyncset.done $0x0  }
0x88: {  	s0 =	sadd.s32 s13, s12;
	[sflag:s23] =	ssyncadd.s32 $0xFFFFC000  }
0x89: {  	[hbm4b:s0+s3] =	stream.linear.scatter [tilespmem:s15], [sflag:$0x8], $0x4000, $0x38;
	[tilespmem:$0x1DC00] =	vst v63  }
0x8a: {  	p0 =	seq.s32 s2, $0x7  }
.Ltmp5:
0x8b: {  	_ = 	snop;
	(pc) =	sbr.rel @p0 .LBB2_6-.Ltmp5, $1  }
0x8c: {  	_ =	sdelay $0x3  }
.Ltmp6:
0x8d: {  	(pc) =	sbr.rel .LBB2_5-.Ltmp6, $4  }
0x8e: {  	_ = 	snop  }
0x8f: {  	_ =	swait.ge [sflag:s21], $0x4000  }
0x90: {  	[sflag:s21] =	ssyncset.done $0x0  }
0x91: {  	[sflag:s21] =	ssyncadd.s32 $0xFFFFC000  }
.LBB2_7:
0x92: {  	_ =	sfence.sel $0x180000  }
0x93: {  	[bflag:$0x0] =	sbarrier.arrive $0xFFFF  }
0x94: {  	_ =	strace $0x90000047  }
0x95: {  	s0 =	stileid.u32;
	[bflag:$0x2] =	sbarrier.arrive $0xFFFF  }
0x96: {  	p0 =	sne.s32 s0, $0x0;
	s0 =	rddreg [dreg:$0x3]  }
0x97: {  	s0 =	sadd.s32 @!p0 $0x100000, s0  }
0x98: {  	[sflag:s0] =	ssyncadd.tile.s32 @!p0 $0x1;
	_ =	shalt  }
.Lfunc_end2:
_tile_overlayer_lowered:
.L_overlay_start_2:
0x99: {  	(tag) =	ssettag $0x2  }
0x9a: {  	s0 =	rddreg [dreg:$0x0];
	s2 =	stileid.u32  }
0x9b: {  	s1 =	rddreg [dreg:$0x1];
	p0 =	sne.s32 s2, $0x0  }
0x9c: {  	s3 =	rddreg [dreg:$0x2];
	[bflag:$0x3] =	sbarrier.arrive $0xFFFF;
	s2 =	simm.s32 @!p0 $0x1C0F  }
0x9d: {  	[timem:s3], [sflag:s2] =	dma.local @!p0 [hbm:s0], s1  }
0x9e: {  	s0 =	simm.s32 @!p0 $0xF  }
0x9f: {  	_ =	swait.ge @!p0 [sflag:s0], s1  }
0xa0: {  	s1 =	ssub.s32 @!p0 $0x0, s1;
	[sflag:s0] =	ssyncset.done @!p0 $0x0  }
0xa1: {  	[sflag:s0] =	ssyncadd.s32 @!p0 s1  }
0xa2: {  	[bflag:$0x3] =	sbarrier.arrive $0xFFFF  }
0xa3: {  	_ =	shalt  }

</sc_bundles>
